<compile_context>
chip_gen: v7x
topology: tpu7x:2x2x1
jax: 0.10.2.dev20260603
libtpu: 0.0.44.dev20260713+nightly
codegen_flags: <defaults>
</compile_context>

<pallas_src>
import jax
import jax.numpy as jnp
from jax import lax
from jax.experimental import pallas as pl
from jax.experimental.pallas import tpu as pltpu
from jax.experimental.pallas import tpu_sc as plsc

NUM_FIELDS = 26
FIELD = 100000
TOTAL = NUM_FIELDS * FIELD
DIM = 32

NC = 2
NS = 16
NW = NC * NS

X_CHUNK = 4000
N_CHUNKS = FIELD // X_CHUNK

SUPER = 1024
GPT = SUPER // 128


def _compact_kernel(x_hbm, idx_hbm, xbuf, idxbuf):
    wid = lax.axis_index("s") * NC + lax.axis_index("c")

    @pl.when(wid < NUM_FIELDS)
    def _():
        field_base = wid * FIELD
        base_vec = jnp.full((16,), field_base, jnp.int32)

        def prefill(k, _):
            idxbuf[pl.ds(k * 16, 16)] = base_vec
            return 0
        lax.fori_loop(0, FIELD // 16, prefill, 0)

        lane = lax.iota(jnp.int32, 16)
        one_vec = jnp.full((16,), 1, jnp.int32)
        zero_vec = jnp.zeros((16,), jnp.int32)

        def chunk_body(c, cursor):
            pltpu.sync_copy(x_hbm.at[pl.ds(field_base + c * X_CHUNK, X_CHUNK)],
                            xbuf)

            def vreg_body(k, cur):
                v = xbuf[pl.ds(k * 16, 16)]
                m = v.astype(jnp.int32) == 1
                mi = jnp.where(m, one_vec, zero_vec)
                incl = plsc.cumsum(mi)
                cur_vec = jnp.full((16,), cur, jnp.int32)
                dest = (cur_vec + incl) - mi
                off = field_base + c * X_CHUNK + k * 16
                pos = jnp.full((16,), off, jnp.int32) + lane
                plsc.store_scatter(idxbuf, [dest], pos, mask=m)
                return cur + jnp.sum(mi)

            return lax.fori_loop(0, X_CHUNK // 16, vreg_body, cursor)

        lax.fori_loop(0, N_CHUNKS, chunk_body, jnp.int32(0))
        pltpu.sync_copy(idxbuf, idx_hbm.at[pl.ds(field_base, FIELD)])


def _make_gather_body(total_rows, idx_base):
    per = total_rows // NW
    base_rows = per // 16 * 16
    n_super = base_rows // SUPER
    rem = base_rows - n_super * SUPER
    rem_last = rem + (total_rows - NW * base_rows)
    assert rem % 16 == 0 and rem_last % 16 == 0

    def body(table_hbm, idx_hbm, out_hbm, idxbuf, rowbuf, sems):
        wid = lax.axis_index("s") * NC + lax.axis_index("c")
        base = wid * base_rows
        off_vec = jnp.full((16,), idx_base, jnp.int32)

        def adjust(n16):
            def a(k, _):
                idxbuf[pl.ds(k * 16, 16)] = idxbuf[pl.ds(k * 16, 16)] - off_vec
                return 0
            lax.fori_loop(0, n16, a, 0)

        def super_body(t, _):
            row0 = base + t * SUPER
            pltpu.sync_copy(idx_hbm.at[pl.ds(idx_base + row0, SUPER)], idxbuf)
            if idx_base:
                adjust(SUPER // 16)
            for j in range(GPT):
                pltpu.async_copy(
                    table_hbm.at[idxbuf.at[pl.ds(j * 128, 128)]],
                    rowbuf.at[pl.ds(j * 128, 128), :],
                    sems)
            for j in range(GPT):
                pltpu.make_async_copy(
                    table_hbm.at[idxbuf.at[pl.ds(j * 128, 128)]],
                    rowbuf.at[pl.ds(j * 128, 128), :],
                    sems).wait()
            pltpu.sync_copy(rowbuf, out_hbm.at[pl.ds(row0, SUPER), :])
            return 0

        lax.fori_loop(0, n_super, super_body, 0)

        n_rem = jnp.where(wid == NW - 1, rem_last // 16, rem // 16)

        def rem_body(r, _):
            row0 = base + n_super * SUPER + r * 16
            pltpu.sync_copy(idx_hbm.at[pl.ds(idx_base + row0, 16)],
                            idxbuf.at[pl.ds(0, 16)])
            if idx_base:
                adjust(1)
            pltpu.async_copy(
                table_hbm.at[idxbuf.at[pl.ds(0, 16)]],
                rowbuf.at[pl.ds(0, 16), :],
                sems).wait()
            pltpu.sync_copy(rowbuf.at[pl.ds(0, 16), :],
                            out_hbm.at[pl.ds(row0, 16), :])
            return 0

        lax.fori_loop(0, n_rem, rem_body, 0)

    return body


@jax.jit
def kernel(x, tables):
    mesh = plsc.VectorSubcoreMesh(core_axis_name="c", subcore_axis_name="s")

    compact = pl.kernel(
        _compact_kernel,
        mesh=mesh,
        compiler_params=pltpu.CompilerParams(needs_layout_passes=False),
        out_type=jax.ShapeDtypeStruct((TOTAL,), jnp.int32),
        scratch_types=[
            pltpu.VMEM((X_CHUNK,), jnp.float32),
            pltpu.VMEM((FIELD,), jnp.int32),
        ],
    )
    idx = compact(x)

    gather = pl.kernel(
        _make_gather_body(TOTAL, 0),
        mesh=mesh,
        compiler_params=pltpu.CompilerParams(
            needs_layout_passes=False, use_tc_tiling_on_sc=False),
        out_type=jax.ShapeDtypeStruct((TOTAL, DIM), jnp.float32),
        scratch_types=[
            pltpu.VMEM((SUPER,), jnp.int32),
            pltpu.VMEM((SUPER, DIM), jnp.float32),
            pltpu.SemaphoreType.DMA,
        ],
        name="gather_rows",
    )
    return gather(tables.reshape(TOTAL, DIM), idx)

# --- scband reference (transcript-rebuilt; emitter-appended) ---
"""Pipeline reference for scband-emb-layer-31327491457140 (READ-ONLY COPY).

The authoritative reference and input builder live on the scoring server;
editing this copy changes nothing except your own understanding.
"""

import jax, jax.numpy as jnp
import numpy as np

INPUT_SIZES = [100000] * 26
SIZE = 32


def setup_inputs(seed: int = 0) -> dict:
    key = jax.random.key(seed)
    x = jnp.ones((sum(INPUT_SIZES),), dtype=jnp.float32)
    tables = jax.random.normal(jax.random.fold_in(key, 1), (len(INPUT_SIZES), INPUT_SIZES[0], SIZE), dtype=jnp.float32)
    return {"x": x, "tables": tables}


def reference(x, tables):
    # Faithful translation of EmbLayer.forward for the 1-D input path:
    # for each field, find positions where the (multi-)hot segment equals 1,
    # embed those positions with the field's table, then concat along axis 0.
    embedded = []
    c = 0
    for i, s in enumerate(INPUT_SIZES):
        seg = x[c:c + s].astype(jnp.int64)
        cur_x = jnp.nonzero(seg == 1, size=seg.shape[0])[0]
        embedded.append(jnp.take(tables[i], cur_x, axis=0))
        c += s
    res = jnp.concatenate(embedded, axis=0)
    return res

if __name__ == "__main__":
    import jax
    _d = setup_inputs()
    print(jax.jit(kernel)(*tuple(_d.values())))

</pallas_src>

<mosaic_0001>
#map = affine_map<(d0, d1) -> (0)>
module attributes {stable_mosaic.version = 14 : i64} {
  func.func @_compact_kernel(%arg0: i32, %arg1: i32, %arg2: memref<2600000xf32, #tpu.memory_space<hbm>>, %arg3: memref<2600000xi32, #tpu.memory_space<hbm>>, %arg4: memref<4000xf32, #tpu.memory_space<vmem>>, %arg5: memref<100000xi32, #tpu.memory_space<vmem>>) attributes {dimension_semantics = [#tpu.dimension_semantics<core_parallel>, #tpu.dimension_semantics<subcore_parallel>], iteration_bounds = array<i64: 2, 16>, scalar_prefetch = 0 : i64, scratch_operands = 2 : i64, tpu.core_type = #tpu.core_type<sc_vector_subcore>, window_params = [{transform_indices = #map}, {transform_indices = #map}]} {
    %mul3A = arith.constant 2 : i32
    %mul3A_0 = arith.muli %arg1, %mul3A : i32
    %add3A = arith.addi %mul3A_0, %arg0 : i32
    %lt3A = arith.constant 26 : i32
    %lt3A_1 = arith.cmpi slt, %add3A, %lt3A : i32
    %convert_element_type3A = arith.extui %lt3A_1 : i1 to i32
    %cond3A = arith.constant 0 : i32
    %cond3A_2 = arith.cmpi ne, %convert_element_type3A, %cond3A : i32
    scf.if %cond3A_2 {
      %mul3A_3 = arith.constant 100000 : i32
      %mul3A_4 = arith.muli %add3A, %mul3A_3 : i32
      %broadcast_in_dim3A = vector.broadcast %mul3A_4 : i32 to vector<16xi32>
      %scan3A = arith.constant 0 : i32
      %scan3A_5 = arith.constant 0 : i32
      %scan3A_6 = arith.constant 6250 : i32
      %scan3A_7 = arith.addi %scan3A_5, %scan3A_6 : i32
      %scan3A_8 = arith.constant 1 : i32
      %scan3A_9 = scf.for %scan3A_22 = %scan3A_5 to %scan3A_7 step %scan3A_8 iter_args(%scan3A_23 = %scan3A) -> (i32)  : i32 {
        %mul3A_24 = arith.constant 16 : i32
        %mul3A_25 = arith.muli %scan3A_22, %mul3A_24 : i32
        %swap3A = arith.index_cast %mul3A_25 : i32 to index
        %swap3A_26 = tpu.vector_load %arg5[%swap3A] {strides = array<i32>} : memref<100000xi32, #tpu.memory_space<vmem>>, vector<16xi32>,
        tpu.vector_store %arg5[%swap3A], %broadcast_in_dim3A {strides = array<i32>} : memref<100000xi32, #tpu.memory_space<vmem>>, vector<16xi32>,
        %scan3A_27 = arith.constant 0 : i32
        scf.yield %scan3A_27 : i32
      }
      %scan3A_10 = arith.constant 6250 : i32
      %iota3A = tpu.iota {dimensions = array<i32: 0>} : vector<16xi32>
      %broadcast_in_dim3A_11 = arith.constant 1 : i32
      %broadcast_in_dim3A_12 = vector.broadcast %broadcast_in_dim3A_11 : i32 to vector<16xi32>
      %broadcast_in_dim3A_13 = arith.constant 0 : i32
      %broadcast_in_dim3A_14 = vector.broadcast %broadcast_in_dim3A_13 : i32 to vector<16xi32>
      %scan3A_15 = arith.constant 0 : i32
      %scan3A_16 = arith.constant 0 : i32
      %scan3A_17 = arith.constant 25 : i32
      %scan3A_18 = arith.addi %scan3A_16, %scan3A_17 : i32
      %scan3A_19 = arith.constant 1 : i32
      %scan3A_20 = scf.for %scan3A_22 = %scan3A_16 to %scan3A_18 step %scan3A_19 iter_args(%scan3A_23 = %scan3A_15) -> (i32)  : i32 {
        %mul3A_24 = arith.constant 4000 : i32
        %mul3A_25 = arith.muli %scan3A_22, %mul3A_24 : i32
        %add3A_26 = arith.addi %mul3A_4, %mul3A_25 : i32
        "tpu.region"() ({
          %run_scoped3A = tpu.sem_alloc : memref<!tpu.dma_semaphore, #tpu.memory_space<semaphore_mem>>
          %dma_start3A = tpu.memref_slice %arg2[%add3A_26] : memref<2600000xf32, #tpu.memory_space<hbm>> -> memref<4000xf32, #tpu.memory_space<hbm>>
          %dma_start3A_33 = tpu.memref_slice %arg2[%add3A_26] : memref<2600000xf32, #tpu.memory_space<hbm>> -> memref<4000xf32, #tpu.memory_space<hbm>>
          tpu.enqueue_dma source(%dma_start3A_33 : memref<4000xf32, #tpu.memory_space<hbm>>) target(%arg4 : memref<4000xf32, #tpu.memory_space<vmem>>) target_semaphore(%run_scoped3A : memref<!tpu.dma_semaphore, #tpu.memory_space<semaphore_mem>>)
          %dma_wait3A = tpu.memref_slice %arg2[%add3A_26] : memref<2600000xf32, #tpu.memory_space<hbm>> -> memref<4000xf32, #tpu.memory_space<hbm>>
          %dma_wait3A_34 = tpu.memref_slice %arg2[%add3A_26] : memref<2600000xf32, #tpu.memory_space<hbm>> -> memref<4000xf32, #tpu.memory_space<hbm>>
          tpu.wait_dma2 semaphore(%run_scoped3A : memref<!tpu.dma_semaphore, #tpu.memory_space<semaphore_mem>>) src(%dma_wait3A_34 : memref<4000xf32, #tpu.memory_space<hbm>>) dst(%arg4 : memref<4000xf32, #tpu.memory_space<vmem>>)
          tpu.yield
        }) : () -> ()
        %scan3A_27 = arith.constant 0 : i32
        %scan3A_28 = arith.constant 250 : i32
        %scan3A_29 = arith.addi %scan3A_27, %scan3A_28 : i32
        %scan3A_30 = arith.constant 1 : i32
        %scan3A_31 = scf.for %scan3A_33 = %scan3A_27 to %scan3A_29 step %scan3A_30 iter_args(%scan3A_34 = %scan3A_23) -> (i32)  : i32 {
          %mul3A_35 = arith.constant 16 : i32
          %mul3A_36 = arith.muli %scan3A_33, %mul3A_35 : i32
          %get3A = arith.index_cast %mul3A_36 : i32 to index
          %get3A_37 = tpu.vector_load %arg4[%get3A] {strides = array<i32>} : memref<4000xf32, #tpu.memory_space<vmem>>, vector<16xf32>,
          %convert_element_type3A_38 = arith.fptosi %get3A_37 : vector<16xf32> to vector<16xi32>
          %eq3A = arith.constant 1 : i32
          %eq3A_39 = vector.broadcast %eq3A : i32 to vector<16xi32>
          %eq3A_40 = arith.cmpi eq, %convert_element_type3A_38, %eq3A_39 : vector<16xi32>
          %select_n3A = arith.select %eq3A_40, %broadcast_in_dim3A_12, %broadcast_in_dim3A_14 : vector<16xi1>, vector<16xi32>
          %broadcast_in_dim3A_41 = arith.constant true
          %broadcast_in_dim3A_42 = vector.broadcast %broadcast_in_dim3A_41 : i1 to vector<16xi1>
          %masked_cumsum3A = tpu.scan <sum>, %select_n3A masked %broadcast_in_dim3A_42 : vector<16xi32>, vector<16xi1> -> vector<16xi32>
          %broadcast_in_dim3A_43 = vector.broadcast %scan3A_34 : i32 to vector<16xi32>
          %add3A_44 = arith.addi %broadcast_in_dim3A_43, %masked_cumsum3A : vector<16xi32>
          %sub3A = arith.subi %add3A_44, %select_n3A : vector<16xi32>
          %mul3A_45 = arith.constant 4000 : i32
          %mul3A_46 = arith.muli %scan3A_22, %mul3A_45 : i32
          %add3A_47 = arith.addi %mul3A_4, %mul3A_46 : i32
          %mul3A_48 = arith.constant 16 : i32
          %mul3A_49 = arith.muli %scan3A_33, %mul3A_48 : i32
          %add3A_50 = arith.addi %add3A_47, %mul3A_49 : i32
          %broadcast_in_dim3A_51 = vector.broadcast %add3A_50 : i32 to vector<16xi32>
          %add3A_52 = arith.addi %broadcast_in_dim3A_51, %iota3A : vector<16xi32>
          tpu.vector_store_idx %arg5[%sub3A], %add3A_52 masked %eq3A_40 : memref<100000xi32, #tpu.memory_space<vmem>>[vector<16xi32>], vector<16xi32>, vector<16xi1>
          %reduce_sum3A = arith.constant true
          %reduce_sum3A_53 = vector.broadcast %reduce_sum3A : i1 to vector<16xi1>
          %reduce_sum3A_54 = tpu.scan <sum>, %select_n3A masked %reduce_sum3A_53 : vector<16xi32>, vector<16xi1> -> vector<16xi32>
          %reduce_sum3A_55 = vector.extract %reduce_sum3A_54[15] : i32 from vector<16xi32>
          %add3A_56 = arith.addi %scan3A_34, %reduce_sum3A_55 : i32
          scf.yield %add3A_56 : i32
        }
        %scan3A_32 = arith.constant 250 : i32
        scf.yield %scan3A_31 : i32
      }
      %scan3A_21 = arith.constant 25 : i32
      "tpu.region"() ({
        %run_scoped3A = tpu.sem_alloc : memref<!tpu.dma_semaphore, #tpu.memory_space<semaphore_mem>>
        %dma_start3A = tpu.memref_slice %arg3[%mul3A_4] : memref<2600000xi32, #tpu.memory_space<hbm>> -> memref<100000xi32, #tpu.memory_space<hbm>>
        %dma_start3A_22 = tpu.memref_slice %arg3[%mul3A_4] : memref<2600000xi32, #tpu.memory_space<hbm>> -> memref<100000xi32, #tpu.memory_space<hbm>>
        tpu.enqueue_dma source(%arg5 : memref<100000xi32, #tpu.memory_space<vmem>>) target(%dma_start3A_22 : memref<100000xi32, #tpu.memory_space<hbm>>) target_semaphore(%run_scoped3A : memref<!tpu.dma_semaphore, #tpu.memory_space<semaphore_mem>>)
        %dma_wait3A = tpu.memref_slice %arg3[%mul3A_4] : memref<2600000xi32, #tpu.memory_space<hbm>> -> memref<100000xi32, #tpu.memory_space<hbm>>
        %dma_wait3A_23 = tpu.memref_slice %arg3[%mul3A_4] : memref<2600000xi32, #tpu.memory_space<hbm>> -> memref<100000xi32, #tpu.memory_space<hbm>>
        tpu.wait_dma2 semaphore(%run_scoped3A : memref<!tpu.dma_semaphore, #tpu.memory_space<semaphore_mem>>) src(%arg5 : memref<100000xi32, #tpu.memory_space<vmem>>) dst(%dma_wait3A_23 : memref<100000xi32, #tpu.memory_space<hbm>>)
        tpu.yield
      }) : () -> ()
    } else {
    }
    return
  }
}

#map = affine_map<(d0, d1) -> (0, 0)>
#map1 = affine_map<(d0, d1) -> (0)>
module attributes {stable_mosaic.version = 14 : i64} {
  func.func @gather_rows(%arg0: i32, %arg1: i32, %arg2: memref<2600000x32xf32, #tpu.memory_space<hbm>>, %arg3: memref<2600000xi32, #tpu.memory_space<hbm>>, %arg4: memref<2600000x32xf32, #tpu.memory_space<hbm>>, %arg5: memref<1024xi32, #tpu.memory_space<vmem>>, %arg6: memref<1024x32xf32, #tpu.memory_space<vmem>>, %arg7: memref<!tpu.dma_semaphore, #tpu.memory_space<semaphore_mem>>) attributes {dimension_semantics = [#tpu.dimension_semantics<core_parallel>, #tpu.dimension_semantics<subcore_parallel>], iteration_bounds = array<i64: 2, 16>, scalar_prefetch = 0 : i64, scratch_operands = 3 : i64, tpu.core_type = #tpu.core_type<sc_vector_subcore>, window_params = [{transform_indices = #map}, {transform_indices = #map1}, {transform_indices = #map}]} {
    %mul3A = arith.constant 2 : i32
    %mul3A_0 = arith.muli %arg1, %mul3A : i32
    %add3A = arith.addi %mul3A_0, %arg0 : i32
    %mul3A_1 = arith.constant 81248 : i32
    %mul3A_2 = arith.muli %add3A, %mul3A_1 : i32
    %broadcast_in_dim3A = arith.constant 0 : i32
    %broadcast_in_dim3A_3 = vector.broadcast %broadcast_in_dim3A : i32 to vector<16xi32>
    %scan3A = arith.constant 0 : i32
    %scan3A_4 = arith.constant 0 : i32
    %scan3A_5 = arith.constant 79 : i32
    %scan3A_6 = arith.addi %scan3A_4, %scan3A_5 : i32
    %scan3A_7 = arith.constant 1 : i32
    %scan3A_8 = scf.for %scan3A_23 = %scan3A_4 to %scan3A_6 step %scan3A_7 iter_args(%scan3A_24 = %scan3A) -> (i32)  : i32 {
      %mul3A_25 = arith.constant 1024 : i32
      %mul3A_26 = arith.muli %scan3A_23, %mul3A_25 : i32
      %add3A_27 = arith.addi %mul3A_2, %mul3A_26 : i32
      %add3A_28 = arith.constant 0 : i32
      %add3A_29 = arith.addi %add3A_28, %add3A_27 : i32
      "tpu.region"() ({
        %run_scoped3A = tpu.sem_alloc : memref<!tpu.dma_semaphore, #tpu.memory_space<semaphore_mem>>
        %dma_start3A_157 = tpu.memref_slice %arg3[%add3A_29] : memref<2600000xi32, #tpu.memory_space<hbm>> -> memref<1024xi32, #tpu.memory_space<hbm>>
        %dma_start3A_158 = tpu.memref_slice %arg3[%add3A_29] : memref<2600000xi32, #tpu.memory_space<hbm>> -> memref<1024xi32, #tpu.memory_space<hbm>>
        tpu.enqueue_dma source(%dma_start3A_158 : memref<1024xi32, #tpu.memory_space<hbm>>) target(%arg5 : memref<1024xi32, #tpu.memory_space<vmem>>) target_semaphore(%run_scoped3A : memref<!tpu.dma_semaphore, #tpu.memory_space<semaphore_mem>>)
        %dma_wait3A_159 = tpu.memref_slice %arg3[%add3A_29] : memref<2600000xi32, #tpu.memory_space<hbm>> -> memref<1024xi32, #tpu.memory_space<hbm>>
        %dma_wait3A_160 = tpu.memref_slice %arg3[%add3A_29] : memref<2600000xi32, #tpu.memory_space<hbm>> -> memref<1024xi32, #tpu.memory_space<hbm>>
        tpu.wait_dma2 semaphore(%run_scoped3A : memref<!tpu.dma_semaphore, #tpu.memory_space<semaphore_mem>>) src(%dma_wait3A_160 : memref<1024xi32, #tpu.memory_space<hbm>>) dst(%arg5 : memref<1024xi32, #tpu.memory_space<vmem>>)
        tpu.yield
      }) : () -> ()
      %dma_start3A = arith.constant 0 : i32
      %dma_start3A_30 = arith.constant 0 : i32
      %dma_start3A_31 = tpu.memref_slice %arg6[%dma_start3A, %dma_start3A_30] : memref<1024x32xf32, #tpu.memory_space<vmem>> -> memref<128x32xf32, #tpu.memory_space<vmem>>
      %dma_start3A_32 = arith.constant 0 : i32
      %dma_start3A_33 = tpu.memref_slice %arg5[%dma_start3A_32] : memref<1024xi32, #tpu.memory_space<vmem>> -> memref<128xi32, #tpu.memory_space<vmem>>
      %dma_start3A_34 = arith.constant 0 : i32
      %dma_start3A_35 = arith.constant 0 : i32
      %dma_start3A_36 = tpu.memref_slice %arg2[%dma_start3A_34, %dma_start3A_35] : memref<2600000x32xf32, #tpu.memory_space<hbm>> -> memref<2600000x32xf32, #tpu.memory_space<hbm>>
      tpu.enqueue_indirect_dma source(%dma_start3A_36 : memref<2600000x32xf32, #tpu.memory_space<hbm>>) target(%dma_start3A_31 : memref<128x32xf32, #tpu.memory_space<vmem>>) offsets(%dma_start3A_33 : memref<128xi32, #tpu.memory_space<vmem>>) semaphore(%arg7 : memref<!tpu.dma_semaphore, #tpu.memory_space<semaphore_mem>>)
      %dma_start3A_37 = arith.constant 128 : i32
      %dma_start3A_38 = arith.constant 0 : i32
      %dma_start3A_39 = tpu.memref_slice %arg6[%dma_start3A_37, %dma_start3A_38] : memref<1024x32xf32, #tpu.memory_space<vmem>> -> memref<128x32xf32, #tpu.memory_space<vmem>>
      %dma_start3A_40 = arith.constant 128 : i32
      %dma_start3A_41 = tpu.memref_slice %arg5[%dma_start3A_40] : memref<1024xi32, #tpu.memory_space<vmem>> -> memref<128xi32, #tpu.memory_space<vmem>>
      %dma_start3A_42 = arith.constant 0 : i32
      %dma_start3A_43 = arith.constant 0 : i32
      %dma_start3A_44 = tpu.memref_slice %arg2[%dma_start3A_42, %dma_start3A_43] : memref<2600000x32xf32, #tpu.memory_space<hbm>> -> memref<2600000x32xf32, #tpu.memory_space<hbm>>
      tpu.enqueue_indirect_dma source(%dma_start3A_44 : memref<2600000x32xf32, #tpu.memory_space<hbm>>) target(%dma_start3A_39 : memref<128x32xf32, #tpu.memory_space<vmem>>) offsets(%dma_start3A_41 : memref<128xi32, #tpu.memory_space<vmem>>) semaphore(%arg7 : memref<!tpu.dma_semaphore, #tpu.memory_space<semaphore_mem>>)
      %dma_start3A_45 = arith.constant 256 : i32
      %dma_start3A_46 = arith.constant 0 : i32
      %dma_start3A_47 = tpu.memref_slice %arg6[%dma_start3A_45, %dma_start3A_46] : memref<1024x32xf32, #tpu.memory_space<vmem>> -> memref<128x32xf32, #tpu.memory_space<vmem>>
      %dma_start3A_48 = arith.constant 256 : i32
      %dma_start3A_49 = tpu.memref_slice %arg5[%dma_start3A_48] : memref<1024xi32, #tpu.memory_space<vmem>> -> memref<128xi32, #tpu.memory_space<vmem>>
      %dma_start3A_50 = arith.constant 0 : i32
      %dma_start3A_51 = arith.constant 0 : i32
      %dma_start3A_52 = tpu.memref_slice %arg2[%dma_start3A_50, %dma_start3A_51] : memref<2600000x32xf32, #tpu.memory_space<hbm>> -> memref<2600000x32xf32, #tpu.memory_space<hbm>>
      tpu.enqueue_indirect_dma source(%dma_start3A_52 : memref<2600000x32xf32, #tpu.memory_space<hbm>>) target(%dma_start3A_47 : memref<128x32xf32, #tpu.memory_space<vmem>>) offsets(%dma_start3A_49 : memref<128xi32, #tpu.memory_space<vmem>>) semaphore(%arg7 : memref<!tpu.dma_semaphore, #tpu.memory_space<semaphore_mem>>)
      %dma_start3A_53 = arith.constant 384 : i32
      %dma_start3A_54 = arith.constant 0 : i32
      %dma_start3A_55 = tpu.memref_slice %arg6[%dma_start3A_53, %dma_start3A_54] : memref<1024x32xf32, #tpu.memory_space<vmem>> -> memref<128x32xf32, #tpu.memory_space<vmem>>
      %dma_start3A_56 = arith.constant 384 : i32
      %dma_start3A_57 = tpu.memref_slice %arg5[%dma_start3A_56] : memref<1024xi32, #tpu.memory_space<vmem>> -> memref<128xi32, #tpu.memory_space<vmem>>
      %dma_start3A_58 = arith.constant 0 : i32
      %dma_start3A_59 = arith.constant 0 : i32
      %dma_start3A_60 = tpu.memref_slice %arg2[%dma_start3A_58, %dma_start3A_59] : memref<2600000x32xf32, #tpu.memory_space<hbm>> -> memref<2600000x32xf32, #tpu.memory_space<hbm>>
      tpu.enqueue_indirect_dma source(%dma_start3A_60 : memref<2600000x32xf32, #tpu.memory_space<hbm>>) target(%dma_start3A_55 : memref<128x32xf32, #tpu.memory_space<vmem>>) offsets(%dma_start3A_57 : memref<128xi32, #tpu.memory_space<vmem>>) semaphore(%arg7 : memref<!tpu.dma_semaphore, #tpu.memory_space<semaphore_mem>>)
      %dma_start3A_61 = arith.constant 512 : i32
      %dma_start3A_62 = arith.constant 0 : i32
      %dma_start3A_63 = tpu.memref_slice %arg6[%dma_start3A_61, %dma_start3A_62] : memref<1024x32xf32, #tpu.memory_space<vmem>> -> memref<128x32xf32, #tpu.memory_space<vmem>>
      %dma_start3A_64 = arith.constant 512 : i32
      %dma_start3A_65 = tpu.memref_slice %arg5[%dma_start3A_64] : memref<1024xi32, #tpu.memory_space<vmem>> -> memref<128xi32, #tpu.memory_space<vmem>>
      %dma_start3A_66 = arith.constant 0 : i32
      %dma_start3A_67 = arith.constant 0 : i32
      %dma_start3A_68 = tpu.memref_slice %arg2[%dma_start3A_66, %dma_start3A_67] : memref<2600000x32xf32, #tpu.memory_space<hbm>> -> memref<2600000x32xf32, #tpu.memory_space<hbm>>
      tpu.enqueue_indirect_dma source(%dma_start3A_68 : memref<2600000x32xf32, #tpu.memory_space<hbm>>) target(%dma_start3A_63 : memref<128x32xf32, #tpu.memory_space<vmem>>) offsets(%dma_start3A_65 : memref<128xi32, #tpu.memory_space<vmem>>) semaphore(%arg7 : memref<!tpu.dma_semaphore, #tpu.memory_space<semaphore_mem>>)
      %dma_start3A_69 = arith.constant 640 : i32
      %dma_start3A_70 = arith.constant 0 : i32
      %dma_start3A_71 = tpu.memref_slice %arg6[%dma_start3A_69, %dma_start3A_70] : memref<1024x32xf32, #tpu.memory_space<vmem>> -> memref<128x32xf32, #tpu.memory_space<vmem>>
      %dma_start3A_72 = arith.constant 640 : i32
      %dma_start3A_73 = tpu.memref_slice %arg5[%dma_start3A_72] : memref<1024xi32, #tpu.memory_space<vmem>> -> memref<128xi32, #tpu.memory_space<vmem>>
      %dma_start3A_74 = arith.constant 0 : i32
      %dma_start3A_75 = arith.constant 0 : i32
      %dma_start3A_76 = tpu.memref_slice %arg2[%dma_start3A_74, %dma_start3A_75] : memref<2600000x32xf32, #tpu.memory_space<hbm>> -> memref<2600000x32xf32, #tpu.memory_space<hbm>>
      tpu.enqueue_indirect_dma source(%dma_start3A_76 : memref<2600000x32xf32, #tpu.memory_space<hbm>>) target(%dma_start3A_71 : memref<128x32xf32, #tpu.memory_space<vmem>>) offsets(%dma_start3A_73 : memref<128xi32, #tpu.memory_space<vmem>>) semaphore(%arg7 : memref<!tpu.dma_semaphore, #tpu.memory_space<semaphore_mem>>)
      %dma_start3A_77 = arith.constant 768 : i32
      %dma_start3A_78 = arith.constant 0 : i32
      %dma_start3A_79 = tpu.memref_slice %arg6[%dma_start3A_77, %dma_start3A_78] : memref<1024x32xf32, #tpu.memory_space<vmem>> -> memref<128x32xf32, #tpu.memory_space<vmem>>
      %dma_start3A_80 = arith.constant 768 : i32
      %dma_start3A_81 = tpu.memref_slice %arg5[%dma_start3A_80] : memref<1024xi32, #tpu.memory_space<vmem>> -> memref<128xi32, #tpu.memory_space<vmem>>
      %dma_start3A_82 = arith.constant 0 : i32
      %dma_start3A_83 = arith.constant 0 : i32
      %dma_start3A_84 = tpu.memref_slice %arg2[%dma_start3A_82, %dma_start3A_83] : memref<2600000x32xf32, #tpu.memory_space<hbm>> -> memref<2600000x32xf32, #tpu.memory_space<hbm>>
      tpu.enqueue_indirect_dma source(%dma_start3A_84 : memref<2600000x32xf32, #tpu.memory_space<hbm>>) target(%dma_start3A_79 : memref<128x32xf32, #tpu.memory_space<vmem>>) offsets(%dma_start3A_81 : memref<128xi32, #tpu.memory_space<vmem>>) semaphore(%arg7 : memref<!tpu.dma_semaphore, #tpu.memory_space<semaphore_mem>>)
      %dma_start3A_85 = arith.constant 896 : i32
      %dma_start3A_86 = arith.constant 0 : i32
      %dma_start3A_87 = tpu.memref_slice %arg6[%dma_start3A_85, %dma_start3A_86] : memref<1024x32xf32, #tpu.memory_space<vmem>> -> memref<128x32xf32, #tpu.memory_space<vmem>>
      %dma_start3A_88 = arith.constant 896 : i32
      %dma_start3A_89 = tpu.memref_slice %arg5[%dma_start3A_88] : memref<1024xi32, #tpu.memory_space<vmem>> -> memref<128xi32, #tpu.memory_space<vmem>>
      %dma_start3A_90 = arith.constant 0 : i32
      %dma_start3A_91 = arith.constant 0 : i32
      %dma_start3A_92 = tpu.memref_slice %arg2[%dma_start3A_90, %dma_start3A_91] : memref<2600000x32xf32, #tpu.memory_space<hbm>> -> memref<2600000x32xf32, #tpu.memory_space<hbm>>
      tpu.enqueue_indirect_dma source(%dma_start3A_92 : memref<2600000x32xf32, #tpu.memory_space<hbm>>) target(%dma_start3A_87 : memref<128x32xf32, #tpu.memory_space<vmem>>) offsets(%dma_start3A_89 : memref<128xi32, #tpu.memory_space<vmem>>) semaphore(%arg7 : memref<!tpu.dma_semaphore, #tpu.memory_space<semaphore_mem>>)
      %dma_wait3A = arith.constant 0 : i32
      %dma_wait3A_93 = arith.constant 0 : i32
      %dma_wait3A_94 = tpu.memref_slice %arg6[%dma_wait3A, %dma_wait3A_93] : memref<1024x32xf32, #tpu.memory_space<vmem>> -> memref<128x32xf32, #tpu.memory_space<vmem>>
      %dma_wait3A_95 = arith.constant 0 : i32
      %dma_wait3A_96 = tpu.memref_slice %arg5[%dma_wait3A_95] : memref<1024xi32, #tpu.memory_space<vmem>> -> memref<128xi32, #tpu.memory_space<vmem>>
      %dma_wait3A_97 = arith.constant 0 : i32
      %dma_wait3A_98 = arith.constant 0 : i32
      %dma_wait3A_99 = tpu.memref_slice %arg2[%dma_wait3A_97, %dma_wait3A_98] : memref<2600000x32xf32, #tpu.memory_space<hbm>> -> memref<2600000x32xf32, #tpu.memory_space<hbm>>
      tpu.wait_indirect_dma semaphore(%arg7 : memref<!tpu.dma_semaphore, #tpu.memory_space<semaphore_mem>>) src(%dma_wait3A_99 : memref<2600000x32xf32, #tpu.memory_space<hbm>>) dst(%dma_wait3A_94 : memref<128x32xf32, #tpu.memory_space<vmem>>)
      %dma_wait3A_100 = arith.constant 128 : i32
      %dma_wait3A_101 = arith.constant 0 : i32
      %dma_wait3A_102 = tpu.memref_slice %arg6[%dma_wait3A_100, %dma_wait3A_101] : memref<1024x32xf32, #tpu.memory_space<vmem>> -> memref<128x32xf32, #tpu.memory_space<vmem>>
      %dma_wait3A_103 = arith.constant 128 : i32
      %dma_wait3A_104 = tpu.memref_slice %arg5[%dma_wait3A_103] : memref<1024xi32, #tpu.memory_space<vmem>> -> memref<128xi32, #tpu.memory_space<vmem>>
      %dma_wait3A_105 = arith.constant 0 : i32
      %dma_wait3A_106 = arith.constant 0 : i32
      %dma_wait3A_107 = tpu.memref_slice %arg2[%dma_wait3A_105, %dma_wait3A_106] : memref<2600000x32xf32, #tpu.memory_space<hbm>> -> memref<2600000x32xf32, #tpu.memory_space<hbm>>
      tpu.wait_indirect_dma semaphore(%arg7 : memref<!tpu.dma_semaphore, #tpu.memory_space<semaphore_mem>>) src(%dma_wait3A_107 : memref<2600000x32xf32, #tpu.memory_space<hbm>>) dst(%dma_wait3A_102 : memref<128x32xf32, #tpu.memory_space<vmem>>)
      %dma_wait3A_108 = arith.constant 256 : i32
      %dma_wait3A_109 = arith.constant 0 : i32
      %dma_wait3A_110 = tpu.memref_slice %arg6[%dma_wait3A_108, %dma_wait3A_109] : memref<1024x32xf32, #tpu.memory_space<vmem>> -> memref<128x32xf32, #tpu.memory_space<vmem>>
      %dma_wait3A_111 = arith.constant 256 : i32
      %dma_wait3A_112 = tpu.memref_slice %arg5[%dma_wait3A_111] : memref<1024xi32, #tpu.memory_space<vmem>> -> memref<128xi32, #tpu.memory_space<vmem>>
      %dma_wait3A_113 = arith.constant 0 : i32
      %dma_wait3A_114 = arith.constant 0 : i32
      %dma_wait3A_115 = tpu.memref_slice %arg2[%dma_wait3A_113, %dma_wait3A_114] : memref<2600000x32xf32, #tpu.memory_space<hbm>> -> memref<2600000x32xf32, #tpu.memory_space<hbm>>
      tpu.wait_indirect_dma semaphore(%arg7 : memref<!tpu.dma_semaphore, #tpu.memory_space<semaphore_mem>>) src(%dma_wait3A_115 : memref<2600000x32xf32, #tpu.memory_space<hbm>>) dst(%dma_wait3A_110 : memref<128x32xf32, #tpu.memory_space<vmem>>)
      %dma_wait3A_116 = arith.constant 384 : i32
      %dma_wait3A_117 = arith.constant 0 : i32
      %dma_wait3A_118 = tpu.memref_slice %arg6[%dma_wait3A_116, %dma_wait3A_117] : memref<1024x32xf32, #tpu.memory_space<vmem>> -> memref<128x32xf32, #tpu.memory_space<vmem>>
      %dma_wait3A_119 = arith.constant 384 : i32
      %dma_wait3A_120 = tpu.memref_slice %arg5[%dma_wait3A_119] : memref<1024xi32, #tpu.memory_space<vmem>> -> memref<128xi32, #tpu.memory_space<vmem>>
      %dma_wait3A_121 = arith.constant 0 : i32
      %dma_wait3A_122 = arith.constant 0 : i32
      %dma_wait3A_123 = tpu.memref_slice %arg2[%dma_wait3A_121, %dma_wait3A_122] : memref<2600000x32xf32, #tpu.memory_space<hbm>> -> memref<2600000x32xf32, #tpu.memory_space<hbm>>
      tpu.wait_indirect_dma semaphore(%arg7 : memref<!tpu.dma_semaphore, #tpu.memory_space<semaphore_mem>>) src(%dma_wait3A_123 : memref<2600000x32xf32, #tpu.memory_space<hbm>>) dst(%dma_wait3A_118 : memref<128x32xf32, #tpu.memory_space<vmem>>)
      %dma_wait3A_124 = arith.constant 512 : i32
      %dma_wait3A_125 = arith.constant 0 : i32
      %dma_wait3A_126 = tpu.memref_slice %arg6[%dma_wait3A_124, %dma_wait3A_125] : memref<1024x32xf32, #tpu.memory_space<vmem>> -> memref<128x32xf32, #tpu.memory_space<vmem>>
      %dma_wait3A_127 = arith.constant 512 : i32
      %dma_wait3A_128 = tpu.memref_slice %arg5[%dma_wait3A_127] : memref<1024xi32, #tpu.memory_space<vmem>> -> memref<128xi32, #tpu.memory_space<vmem>>
      %dma_wait3A_129 = arith.constant 0 : i32
      %dma_wait3A_130 = arith.constant 0 : i32
      %dma_wait3A_131 = tpu.memref_slice %arg2[%dma_wait3A_129, %dma_wait3A_130] : memref<2600000x32xf32, #tpu.memory_space<hbm>> -> memref<2600000x32xf32, #tpu.memory_space<hbm>>
      tpu.wait_indirect_dma semaphore(%arg7 : memref<!tpu.dma_semaphore, #tpu.memory_space<semaphore_mem>>) src(%dma_wait3A_131 : memref<2600000x32xf32, #tpu.memory_space<hbm>>) dst(%dma_wait3A_126 : memref<128x32xf32, #tpu.memory_space<vmem>>)
      %dma_wait3A_132 = arith.constant 640 : i32
      %dma_wait3A_133 = arith.constant 0 : i32
      %dma_wait3A_134 = tpu.memref_slice %arg6[%dma_wait3A_132, %dma_wait3A_133] : memref<1024x32xf32, #tpu.memory_space<vmem>> -> memref<128x32xf32, #tpu.memory_space<vmem>>
      %dma_wait3A_135 = arith.constant 640 : i32
      %dma_wait3A_136 = tpu.memref_slice %arg5[%dma_wait3A_135] : memref<1024xi32, #tpu.memory_space<vmem>> -> memref<128xi32, #tpu.memory_space<vmem>>
      %dma_wait3A_137 = arith.constant 0 : i32
      %dma_wait3A_138 = arith.constant 0 : i32
      %dma_wait3A_139 = tpu.memref_slice %arg2[%dma_wait3A_137, %dma_wait3A_138] : memref<2600000x32xf32, #tpu.memory_space<hbm>> -> memref<2600000x32xf32, #tpu.memory_space<hbm>>
      tpu.wait_indirect_dma semaphore(%arg7 : memref<!tpu.dma_semaphore, #tpu.memory_space<semaphore_mem>>) src(%dma_wait3A_139 : memref<2600000x32xf32, #tpu.memory_space<hbm>>) dst(%dma_wait3A_134 : memref<128x32xf32, #tpu.memory_space<vmem>>)
      %dma_wait3A_140 = arith.constant 768 : i32
      %dma_wait3A_141 = arith.constant 0 : i32
      %dma_wait3A_142 = tpu.memref_slice %arg6[%dma_wait3A_140, %dma_wait3A_141] : memref<1024x32xf32, #tpu.memory_space<vmem>> -> memref<128x32xf32, #tpu.memory_space<vmem>>
      %dma_wait3A_143 = arith.constant 768 : i32
      %dma_wait3A_144 = tpu.memref_slice %arg5[%dma_wait3A_143] : memref<1024xi32, #tpu.memory_space<vmem>> -> memref<128xi32, #tpu.memory_space<vmem>>
      %dma_wait3A_145 = arith.constant 0 : i32
      %dma_wait3A_146 = arith.constant 0 : i32
      %dma_wait3A_147 = tpu.memref_slice %arg2[%dma_wait3A_145, %dma_wait3A_146] : memref<2600000x32xf32, #tpu.memory_space<hbm>> -> memref<2600000x32xf32, #tpu.memory_space<hbm>>
      tpu.wait_indirect_dma semaphore(%arg7 : memref<!tpu.dma_semaphore, #tpu.memory_space<semaphore_mem>>) src(%dma_wait3A_147 : memref<2600000x32xf32, #tpu.memory_space<hbm>>) dst(%dma_wait3A_142 : memref<128x32xf32, #tpu.memory_space<vmem>>)
      %dma_wait3A_148 = arith.constant 896 : i32
      %dma_wait3A_149 = arith.constant 0 : i32
      %dma_wait3A_150 = tpu.memref_slice %arg6[%dma_wait3A_148, %dma_wait3A_149] : memref<1024x32xf32, #tpu.memory_space<vmem>> -> memref<128x32xf32, #tpu.memory_space<vmem>>
      %dma_wait3A_151 = arith.constant 896 : i32
      %dma_wait3A_152 = tpu.memref_slice %arg5[%dma_wait3A_151] : memref<1024xi32, #tpu.memory_space<vmem>> -> memref<128xi32, #tpu.memory_space<vmem>>
      %dma_wait3A_153 = arith.constant 0 : i32
      %dma_wait3A_154 = arith.constant 0 : i32
      %dma_wait3A_155 = tpu.memref_slice %arg2[%dma_wait3A_153, %dma_wait3A_154] : memref<2600000x32xf32, #tpu.memory_space<hbm>> -> memref<2600000x32xf32, #tpu.memory_space<hbm>>
      tpu.wait_indirect_dma semaphore(%arg7 : memref<!tpu.dma_semaphore, #tpu.memory_space<semaphore_mem>>) src(%dma_wait3A_155 : memref<2600000x32xf32, #tpu.memory_space<hbm>>) dst(%dma_wait3A_150 : memref<128x32xf32, #tpu.memory_space<vmem>>)
      "tpu.region"() ({
        %run_scoped3A = tpu.sem_alloc : memref<!tpu.dma_semaphore, #tpu.memory_space<semaphore_mem>>
        %dma_start3A_157 = arith.constant 0 : i32
        %dma_start3A_158 = tpu.memref_slice %arg4[%add3A_27, %dma_start3A_157] : memref<2600000x32xf32, #tpu.memory_space<hbm>> -> memref<1024x32xf32, #tpu.memory_space<hbm>>
        %dma_start3A_159 = arith.constant 0 : i32
        %dma_start3A_160 = tpu.memref_slice %arg4[%add3A_27, %dma_start3A_159] : memref<2600000x32xf32, #tpu.memory_space<hbm>> -> memref<1024x32xf32, #tpu.memory_space<hbm>>
        tpu.enqueue_dma source(%arg6 : memref<1024x32xf32, #tpu.memory_space<vmem>>) target(%dma_start3A_160 : memref<1024x32xf32, #tpu.memory_space<hbm>>) target_semaphore(%run_scoped3A : memref<!tpu.dma_semaphore, #tpu.memory_space<semaphore_mem>>)
        %dma_wait3A_161 = arith.constant 0 : i32
        %dma_wait3A_162 = tpu.memref_slice %arg4[%add3A_27, %dma_wait3A_161] : memref<2600000x32xf32, #tpu.memory_space<hbm>> -> memref<1024x32xf32, #tpu.memory_space<hbm>>
        %dma_wait3A_163 = arith.constant 0 : i32
        %dma_wait3A_164 = tpu.memref_slice %arg4[%add3A_27, %dma_wait3A_163] : memref<2600000x32xf32, #tpu.memory_space<hbm>> -> memref<1024x32xf32, #tpu.memory_space<hbm>>
        tpu.wait_dma2 semaphore(%run_scoped3A : memref<!tpu.dma_semaphore, #tpu.memory_space<semaphore_mem>>) src(%arg6 : memref<1024x32xf32, #tpu.memory_space<vmem>>) dst(%dma_wait3A_164 : memref<1024x32xf32, #tpu.memory_space<hbm>>)
        tpu.yield
      }) : () -> ()
      %scan3A_156 = arith.constant 0 : i32
      scf.yield %scan3A_156 : i32
    }
    %scan3A_9 = arith.constant 79 : i32
    %eq3A = arith.constant 31 : i32
    %eq3A_10 = arith.cmpi eq, %add3A, %eq3A : i32
    %jit3A = arith.constant 26 : i32
    %jit3A_11 = arith.constant 22 : i32
    %select_n3A = arith.select %eq3A_10, %jit3A, %jit3A_11 : i32
    %while3A = arith.constant 0 : i32
    %while3A_12 = arith.constant 0 : i32
    %while3A_13 = arith.subi %select_n3A, %while3A : i32
    %while3A_14 = arith.addi %while3A, %while3A_13 : i32
    %while3A_15 = arith.constant 1 : i32
    %while3A_16 = arith.divsi %while3A_13, %while3A_15 : i32
    %while3A_17 = arith.muli %while3A_16, %while3A_15 : i32
    %while3A_18 = arith.addi %while3A, %while3A_17 : i32
    %while3A_19 = arith.constant 1 : i32
    %while3A_20 = scf.for %while3A_23 = %while3A to %while3A_18 step %while3A_19 iter_args(%while3A_24 = %while3A_12) -> (i32)  : i32 {
      %add3A_25 = arith.constant 80896 : i32
      %add3A_26 = arith.addi %mul3A_2, %add3A_25 : i32
      %mul3A_27 = arith.constant 16 : i32
      %mul3A_28 = arith.muli %while3A_23, %mul3A_27 : i32
      %add3A_29 = arith.addi %add3A_26, %mul3A_28 : i32
      %add3A_30 = arith.constant 0 : i32
      %add3A_31 = arith.addi %add3A_30, %add3A_29 : i32
      "tpu.region"() ({
        %run_scoped3A = tpu.sem_alloc : memref<!tpu.dma_semaphore, #tpu.memory_space<semaphore_mem>>
        %dma_start3A_47 = arith.constant 0 : i32
        %dma_start3A_48 = tpu.memref_slice %arg5[%dma_start3A_47] : memref<1024xi32, #tpu.memory_space<vmem>> -> memref<16xi32, #tpu.memory_space<vmem>>
        %dma_start3A_49 = tpu.memref_slice %arg3[%add3A_31] : memref<2600000xi32, #tpu.memory_space<hbm>> -> memref<16xi32, #tpu.memory_space<hbm>>
        %dma_start3A_50 = arith.constant 0 : i32
        %dma_start3A_51 = tpu.memref_slice %arg5[%dma_start3A_50] : memref<1024xi32, #tpu.memory_space<vmem>> -> memref<16xi32, #tpu.memory_space<vmem>>
        %dma_start3A_52 = tpu.memref_slice %arg3[%add3A_31] : memref<2600000xi32, #tpu.memory_space<hbm>> -> memref<16xi32, #tpu.memory_space<hbm>>
        tpu.enqueue_dma source(%dma_start3A_52 : memref<16xi32, #tpu.memory_space<hbm>>) target(%dma_start3A_51 : memref<16xi32, #tpu.memory_space<vmem>>) target_semaphore(%run_scoped3A : memref<!tpu.dma_semaphore, #tpu.memory_space<semaphore_mem>>)
        %dma_wait3A_53 = arith.constant 0 : i32
        %dma_wait3A_54 = tpu.memref_slice %arg5[%dma_wait3A_53] : memref<1024xi32, #tpu.memory_space<vmem>> -> memref<16xi32, #tpu.memory_space<vmem>>
        %dma_wait3A_55 = tpu.memref_slice %arg3[%add3A_31] : memref<2600000xi32, #tpu.memory_space<hbm>> -> memref<16xi32, #tpu.memory_space<hbm>>
        %dma_wait3A_56 = arith.constant 0 : i32
        %dma_wait3A_57 = tpu.memref_slice %arg5[%dma_wait3A_56] : memref<1024xi32, #tpu.memory_space<vmem>> -> memref<16xi32, #tpu.memory_space<vmem>>
        %dma_wait3A_58 = tpu.memref_slice %arg3[%add3A_31] : memref<2600000xi32, #tpu.memory_space<hbm>> -> memref<16xi32, #tpu.memory_space<hbm>>
        tpu.wait_dma2 semaphore(%run_scoped3A : memref<!tpu.dma_semaphore, #tpu.memory_space<semaphore_mem>>) src(%dma_wait3A_58 : memref<16xi32, #tpu.memory_space<hbm>>) dst(%dma_wait3A_57 : memref<16xi32, #tpu.memory_space<vmem>>)
        tpu.yield
      }) : () -> ()
      %dma_start3A = arith.constant 0 : i32
      %dma_start3A_32 = arith.constant 0 : i32
      %dma_start3A_33 = tpu.memref_slice %arg6[%dma_start3A, %dma_start3A_32] : memref<1024x32xf32, #tpu.memory_space<vmem>> -> memref<16x32xf32, #tpu.memory_space<vmem>>
      %dma_start3A_34 = arith.constant 0 : i32
      %dma_start3A_35 = tpu.memref_slice %arg5[%dma_start3A_34] : memref<1024xi32, #tpu.memory_space<vmem>> -> memref<16xi32, #tpu.memory_space<vmem>>
      %dma_start3A_36 = arith.constant 0 : i32
      %dma_start3A_37 = arith.constant 0 : i32
      %dma_start3A_38 = tpu.memref_slice %arg2[%dma_start3A_36, %dma_start3A_37] : memref<2600000x32xf32, #tpu.memory_space<hbm>> -> memref<2600000x32xf32, #tpu.memory_space<hbm>>
      tpu.enqueue_indirect_dma source(%dma_start3A_38 : memref<2600000x32xf32, #tpu.memory_space<hbm>>) target(%dma_start3A_33 : memref<16x32xf32, #tpu.memory_space<vmem>>) offsets(%dma_start3A_35 : memref<16xi32, #tpu.memory_space<vmem>>) semaphore(%arg7 : memref<!tpu.dma_semaphore, #tpu.memory_space<semaphore_mem>>)
      %dma_wait3A = arith.constant 0 : i32
      %dma_wait3A_39 = arith.constant 0 : i32
      %dma_wait3A_40 = tpu.memref_slice %arg6[%dma_wait3A, %dma_wait3A_39] : memref<1024x32xf32, #tpu.memory_space<vmem>> -> memref<16x32xf32, #tpu.memory_space<vmem>>
      %dma_wait3A_41 = arith.constant 0 : i32
      %dma_wait3A_42 = tpu.memref_slice %arg5[%dma_wait3A_41] : memref<1024xi32, #tpu.memory_space<vmem>> -> memref<16xi32, #tpu.memory_space<vmem>>
      %dma_wait3A_43 = arith.constant 0 : i32
      %dma_wait3A_44 = arith.constant 0 : i32
      %dma_wait3A_45 = tpu.memref_slice %arg2[%dma_wait3A_43, %dma_wait3A_44] : memref<2600000x32xf32, #tpu.memory_space<hbm>> -> memref<2600000x32xf32, #tpu.memory_space<hbm>>
      tpu.wait_indirect_dma semaphore(%arg7 : memref<!tpu.dma_semaphore, #tpu.memory_space<semaphore_mem>>) src(%dma_wait3A_45 : memref<2600000x32xf32, #tpu.memory_space<hbm>>) dst(%dma_wait3A_40 : memref<16x32xf32, #tpu.memory_space<vmem>>)
      "tpu.region"() ({
        %run_scoped3A = tpu.sem_alloc : memref<!tpu.dma_semaphore, #tpu.memory_space<semaphore_mem>>
        %dma_start3A_47 = arith.constant 0 : i32
        %dma_start3A_48 = arith.constant 0 : i32
        %dma_start3A_49 = tpu.memref_slice %arg6[%dma_start3A_47, %dma_start3A_48] : memref<1024x32xf32, #tpu.memory_space<vmem>> -> memref<16x32xf32, #tpu.memory_space<vmem>>
        %dma_start3A_50 = arith.constant 0 : i32
        %dma_start3A_51 = tpu.memref_slice %arg4[%add3A_29, %dma_start3A_50] : memref<2600000x32xf32, #tpu.memory_space<hbm>> -> memref<16x32xf32, #tpu.memory_space<hbm>>
        %dma_start3A_52 = arith.constant 0 : i32
        %dma_start3A_53 = tpu.memref_slice %arg4[%add3A_29, %dma_start3A_52] : memref<2600000x32xf32, #tpu.memory_space<hbm>> -> memref<16x32xf32, #tpu.memory_space<hbm>>
        %dma_start3A_54 = arith.constant 0 : i32
        %dma_start3A_55 = arith.constant 0 : i32
        %dma_start3A_56 = tpu.memref_slice %arg6[%dma_start3A_54, %dma_start3A_55] : memref<1024x32xf32, #tpu.memory_space<vmem>> -> memref<16x32xf32, #tpu.memory_space<vmem>>
        tpu.enqueue_dma source(%dma_start3A_56 : memref<16x32xf32, #tpu.memory_space<vmem>>) target(%dma_start3A_53 : memref<16x32xf32, #tpu.memory_space<hbm>>) target_semaphore(%run_scoped3A : memref<!tpu.dma_semaphore, #tpu.memory_space<semaphore_mem>>)
        %dma_wait3A_57 = arith.constant 0 : i32
        %dma_wait3A_58 = arith.constant 0 : i32
        %dma_wait3A_59 = tpu.memref_slice %arg6[%dma_wait3A_57, %dma_wait3A_58] : memref<1024x32xf32, #tpu.memory_space<vmem>> -> memref<16x32xf32, #tpu.memory_space<vmem>>
        %dma_wait3A_60 = arith.constant 0 : i32
        %dma_wait3A_61 = tpu.memref_slice %arg4[%add3A_29, %dma_wait3A_60] : memref<2600000x32xf32, #tpu.memory_space<hbm>> -> memref<16x32xf32, #tpu.memory_space<hbm>>
        %dma_wait3A_62 = arith.constant 0 : i32
        %dma_wait3A_63 = tpu.memref_slice %arg4[%add3A_29, %dma_wait3A_62] : memref<2600000x32xf32, #tpu.memory_space<hbm>> -> memref<16x32xf32, #tpu.memory_space<hbm>>
        %dma_wait3A_64 = arith.constant 0 : i32
        %dma_wait3A_65 = arith.constant 0 : i32
        %dma_wait3A_66 = tpu.memref_slice %arg6[%dma_wait3A_64, %dma_wait3A_65] : memref<1024x32xf32, #tpu.memory_space<vmem>> -> memref<16x32xf32, #tpu.memory_space<vmem>>
        tpu.wait_dma2 semaphore(%run_scoped3A : memref<!tpu.dma_semaphore, #tpu.memory_space<semaphore_mem>>) src(%dma_wait3A_66 : memref<16x32xf32, #tpu.memory_space<vmem>>) dst(%dma_wait3A_63 : memref<16x32xf32, #tpu.memory_space<hbm>>)
        tpu.yield
      }) : () -> ()
      %while3A_46 = arith.constant 0 : i32
      scf.yield %while3A_46 : i32
    }
    %while3A_21 = arith.constant 1 : i32
    %while3A_22 = scf.for %while3A_23 = %while3A_18 to %while3A_14 step %while3A_21 iter_args(%while3A_24 = %while3A_20) -> (i32)  : i32 {
      %add3A_25 = arith.constant 80896 : i32
      %add3A_26 = arith.addi %mul3A_2, %add3A_25 : i32
      %mul3A_27 = arith.constant 16 : i32
      %mul3A_28 = arith.muli %while3A_23, %mul3A_27 : i32
      %add3A_29 = arith.addi %add3A_26, %mul3A_28 : i32
      %add3A_30 = arith.constant 0 : i32
      %add3A_31 = arith.addi %add3A_30, %add3A_29 : i32
      "tpu.region"() ({
        %run_scoped3A = tpu.sem_alloc : memref<!tpu.dma_semaphore, #tpu.memory_space<semaphore_mem>>
        %dma_start3A_47 = arith.constant 0 : i32
        %dma_start3A_48 = tpu.memref_slice %arg5[%dma_start3A_47] : memref<1024xi32, #tpu.memory_space<vmem>> -> memref<16xi32, #tpu.memory_space<vmem>>
        %dma_start3A_49 = tpu.memref_slice %arg3[%add3A_31] : memref<2600000xi32, #tpu.memory_space<hbm>> -> memref<16xi32, #tpu.memory_space<hbm>>
        %dma_start3A_50 = arith.constant 0 : i32
        %dma_start3A_51 = tpu.memref_slice %arg5[%dma_start3A_50] : memref<1024xi32, #tpu.memory_space<vmem>> -> memref<16xi32, #tpu.memory_space<vmem>>
        %dma_start3A_52 = tpu.memref_slice %arg3[%add3A_31] : memref<2600000xi32, #tpu.memory_space<hbm>> -> memref<16xi32, #tpu.memory_space<hbm>>
        tpu.enqueue_dma source(%dma_start3A_52 : memref<16xi32, #tpu.memory_space<hbm>>) target(%dma_start3A_51 : memref<16xi32, #tpu.memory_space<vmem>>) target_semaphore(%run_scoped3A : memref<!tpu.dma_semaphore, #tpu.memory_space<semaphore_mem>>)
        %dma_wait3A_53 = arith.constant 0 : i32
        %dma_wait3A_54 = tpu.memref_slice %arg5[%dma_wait3A_53] : memref<1024xi32, #tpu.memory_space<vmem>> -> memref<16xi32, #tpu.memory_space<vmem>>
        %dma_wait3A_55 = tpu.memref_slice %arg3[%add3A_31] : memref<2600000xi32, #tpu.memory_space<hbm>> -> memref<16xi32, #tpu.memory_space<hbm>>
        %dma_wait3A_56 = arith.constant 0 : i32
        %dma_wait3A_57 = tpu.memref_slice %arg5[%dma_wait3A_56] : memref<1024xi32, #tpu.memory_space<vmem>> -> memref<16xi32, #tpu.memory_space<vmem>>
        %dma_wait3A_58 = tpu.memref_slice %arg3[%add3A_31] : memref<2600000xi32, #tpu.memory_space<hbm>> -> memref<16xi32, #tpu.memory_space<hbm>>
        tpu.wait_dma2 semaphore(%run_scoped3A : memref<!tpu.dma_semaphore, #tpu.memory_space<semaphore_mem>>) src(%dma_wait3A_58 : memref<16xi32, #tpu.memory_space<hbm>>) dst(%dma_wait3A_57 : memref<16xi32, #tpu.memory_space<vmem>>)
        tpu.yield
      }) : () -> ()
      %dma_start3A = arith.constant 0 : i32
      %dma_start3A_32 = arith.constant 0 : i32
      %dma_start3A_33 = tpu.memref_slice %arg6[%dma_start3A, %dma_start3A_32] : memref<1024x32xf32, #tpu.memory_space<vmem>> -> memref<16x32xf32, #tpu.memory_space<vmem>>
      %dma_start3A_34 = arith.constant 0 : i32
      %dma_start3A_35 = tpu.memref_slice %arg5[%dma_start3A_34] : memref<1024xi32, #tpu.memory_space<vmem>> -> memref<16xi32, #tpu.memory_space<vmem>>
      %dma_start3A_36 = arith.constant 0 : i32
      %dma_start3A_37 = arith.constant 0 : i32
      %dma_start3A_38 = tpu.memref_slice %arg2[%dma_start3A_36, %dma_start3A_37] : memref<2600000x32xf32, #tpu.memory_space<hbm>> -> memref<2600000x32xf32, #tpu.memory_space<hbm>>
      tpu.enqueue_indirect_dma source(%dma_start3A_38 : memref<2600000x32xf32, #tpu.memory_space<hbm>>) target(%dma_start3A_33 : memref<16x32xf32, #tpu.memory_space<vmem>>) offsets(%dma_start3A_35 : memref<16xi32, #tpu.memory_space<vmem>>) semaphore(%arg7 : memref<!tpu.dma_semaphore, #tpu.memory_space<semaphore_mem>>)
      %dma_wait3A = arith.constant 0 : i32
      %dma_wait3A_39 = arith.constant 0 : i32
      %dma_wait3A_40 = tpu.memref_slice %arg6[%dma_wait3A, %dma_wait3A_39] : memref<1024x32xf32, #tpu.memory_space<vmem>> -> memref<16x32xf32, #tpu.memory_space<vmem>>
      %dma_wait3A_41 = arith.constant 0 : i32
      %dma_wait3A_42 = tpu.memref_slice %arg5[%dma_wait3A_41] : memref<1024xi32, #tpu.memory_space<vmem>> -> memref<16xi32, #tpu.memory_space<vmem>>
      %dma_wait3A_43 = arith.constant 0 : i32
      %dma_wait3A_44 = arith.constant 0 : i32
      %dma_wait3A_45 = tpu.memref_slice %arg2[%dma_wait3A_43, %dma_wait3A_44] : memref<2600000x32xf32, #tpu.memory_space<hbm>> -> memref<2600000x32xf32, #tpu.memory_space<hbm>>
      tpu.wait_indirect_dma semaphore(%arg7 : memref<!tpu.dma_semaphore, #tpu.memory_space<semaphore_mem>>) src(%dma_wait3A_45 : memref<2600000x32xf32, #tpu.memory_space<hbm>>) dst(%dma_wait3A_40 : memref<16x32xf32, #tpu.memory_space<vmem>>)
      "tpu.region"() ({
        %run_scoped3A = tpu.sem_alloc : memref<!tpu.dma_semaphore, #tpu.memory_space<semaphore_mem>>
        %dma_start3A_47 = arith.constant 0 : i32
        %dma_start3A_48 = arith.constant 0 : i32
        %dma_start3A_49 = tpu.memref_slice %arg6[%dma_start3A_47, %dma_start3A_48] : memref<1024x32xf32, #tpu.memory_space<vmem>> -> memref<16x32xf32, #tpu.memory_space<vmem>>
        %dma_start3A_50 = arith.constant 0 : i32
        %dma_start3A_51 = tpu.memref_slice %arg4[%add3A_29, %dma_start3A_50] : memref<2600000x32xf32, #tpu.memory_space<hbm>> -> memref<16x32xf32, #tpu.memory_space<hbm>>
        %dma_start3A_52 = arith.constant 0 : i32
        %dma_start3A_53 = tpu.memref_slice %arg4[%add3A_29, %dma_start3A_52] : memref<2600000x32xf32, #tpu.memory_space<hbm>> -> memref<16x32xf32, #tpu.memory_space<hbm>>
        %dma_start3A_54 = arith.constant 0 : i32
        %dma_start3A_55 = arith.constant 0 : i32
        %dma_start3A_56 = tpu.memref_slice %arg6[%dma_start3A_54, %dma_start3A_55] : memref<1024x32xf32, #tpu.memory_space<vmem>> -> memref<16x32xf32, #tpu.memory_space<vmem>>
        tpu.enqueue_dma source(%dma_start3A_56 : memref<16x32xf32, #tpu.memory_space<vmem>>) target(%dma_start3A_53 : memref<16x32xf32, #tpu.memory_space<hbm>>) target_semaphore(%run_scoped3A : memref<!tpu.dma_semaphore, #tpu.memory_space<semaphore_mem>>)
        %dma_wait3A_57 = arith.constant 0 : i32
        %dma_wait3A_58 = arith.constant 0 : i32
        %dma_wait3A_59 = tpu.memref_slice %arg6[%dma_wait3A_57, %dma_wait3A_58] : memref<1024x32xf32, #tpu.memory_space<vmem>> -> memref<16x32xf32, #tpu.memory_space<vmem>>
        %dma_wait3A_60 = arith.constant 0 : i32
        %dma_wait3A_61 = tpu.memref_slice %arg4[%add3A_29, %dma_wait3A_60] : memref<2600000x32xf32, #tpu.memory_space<hbm>> -> memref<16x32xf32, #tpu.memory_space<hbm>>
        %dma_wait3A_62 = arith.constant 0 : i32
        %dma_wait3A_63 = tpu.memref_slice %arg4[%add3A_29, %dma_wait3A_62] : memref<2600000x32xf32, #tpu.memory_space<hbm>> -> memref<16x32xf32, #tpu.memory_space<hbm>>
        %dma_wait3A_64 = arith.constant 0 : i32
        %dma_wait3A_65 = arith.constant 0 : i32
        %dma_wait3A_66 = tpu.memref_slice %arg6[%dma_wait3A_64, %dma_wait3A_65] : memref<1024x32xf32, #tpu.memory_space<vmem>> -> memref<16x32xf32, #tpu.memory_space<vmem>>
        tpu.wait_dma2 semaphore(%run_scoped3A : memref<!tpu.dma_semaphore, #tpu.memory_space<semaphore_mem>>) src(%dma_wait3A_66 : memref<16x32xf32, #tpu.memory_space<vmem>>) dst(%dma_wait3A_63 : memref<16x32xf32, #tpu.memory_space<hbm>>)
        tpu.yield
      }) : () -> ()
      %while3A_46 = arith.constant 0 : i32
      scf.yield %while3A_46 : i32
    }
    return
  }
}

</mosaic_0001>

<sc_bundles>
// kernel: gather_rows.3.cloned.1.call-start
scs
__scs_entry_jumppad:
0x0: {  	(pc) =	sbr.rel $0x88, $3  }
0x1: {  	(tag) =	ssettag $0x0;
	lr =	simm.s32 $0x1  }
0x2: {  	[smem:$0x3F9F] =	sst lr;
	_ =	strace $0xD0000000  }
0x3: {  	_ = 	snop  }
0x4: {  	_ = 	snop  }
0x5: {  	_ = 	snop  }
0x6: {  	_ = 	snop  }
0x7: {  	_ = 	snop  }
__scs_overlays_trampoline_lowered:
0x8: {  	[smem:$0x3FAE] =	sst s0  }
0x9: {  	[smem:$0x3FAF] =	sst s1  }
0xa: {  	[smem:$0x3FB0] =	sst s2  }
0xb: {  	[smem:$0x3FB1] =	sst s3  }
0xc: {  	[smem:$0x3FB2] =	sst s4  }
0xd: {  	[smem:$0x3FB3] =	sst s5  }
0xe: {  	[smem:$0x3FB4] =	sst s6  }
0xf: {  	[smem:$0x3FB5] =	sst s7  }
0x10: {  	[smem:$0x3FB6] =	sst s8  }
0x11: {  	[smem:$0x3FB7] =	sst s9;
	s0 =	simm.s32 @!p0 $0x0  }
0x12: {  	s1 =	sld [smem:$0x3F9D];
	s0 =	simm.s32 @p0 $0x1  }
0x13: {  	[smem:$0x3FB8] =	sst s0;
	s0 =	simm.s32 @!p1 $0x0  }
0x14: {  	s2 =	sld [smem:$0x3F9C];
	s0 =	simm.s32 @p1 $0x1  }
0x15: {  	[smem:$0x3FB9] =	sst s0;
	s0 =	simm.s32 @!p2 $0x0  }
0x16: {  	s3 =	sld [smem:$0x3FDB];
	s0 =	simm.s32 @p2 $0x1  }
0x17: {  	s4 =	simm.s32 $0x1BF5;
	[smem:$0x3FBB] =	sst s0  }
0x18: {  	s0 =	sld [smem:$0x3F9E];
	_ =	swait.ge [sflag:s4], $0x0  }
0x19: {  	s7 =	sld [smem:$0x3F9F]  }
0x1a: {  	s8 =	sadd.s32 $0xFFFFE003, lr  }
0x1b: {  	s9 =	sadd.s32 $0xFFFFFEF7, lr;
	s5 =	simm.s32 $0xFFFFFFFF;
	p2 =	slt.u32 s8, $0xFFFFF086  }
0x1c: {  	p1 =	slt.u32 s9, $0xF7A;
	s5 =	simm.s32 @!p2 $0x0  }
0x1d: {  	s5 =	simm.s32 @p1 $0x1;
	p0 =	seq.s32 s7, s2  }
0x1e: {  	s7 =	smul.u32 @!p0 $0xF7A, s2;
	p2 =	seq.s32 @!p0 s5, $0x0  }
0x1f: {  	s9 =	smul.u32 $0xF7A, s1;
	s8 =	simm.s32 @!p0 $0x1BF5;
	p2 =	por !p2, p0  }
0x20: {  	[sflag:s8] =	ssyncset.s32 @!p0 $0xFFFFF086;
	s6 =	sadd.s32 @!p0 s3, s7;
	s7 =	simm.s32 @!p0 $0x108  }
0x21: {  	s3 =	sadd.s32 s3, s9;
	s6 =	sadd.s32 @!p0 $0x88, s6;
	s7 =	simm.s32 @p2 $0x1082  }
0x22: {  	[simem:s7], [sflag:s8] =	dma.local @!p0 [hbm:s6], $0xF7A  }
0x23: {  	s9 =	sor.u32 $0xD0000000, s2;
	s6 =	simm.s32 $0x108;
	_ =	swait.ge @!p0 [sflag:s8], $0x0  }
0x24: {  	s3 =	sadd.s32 $0x88, s3;
	s6 =	simm.s32 @!p1 $0x1082;
	[sflag:s4] =	ssyncset.s32 $0xFFFFF086  }
0x25: {  	[simem:s6], [sflag:s4] =	dma.local [hbm:s3], $0xF7A  }
0x26: {  	[smem:$0x3F9F] =	sst s1;
	(tag) =	ssettag s2;
	_ =	strace s9  }
0x27: {  	s1 =	sld [smem:$0x3FAF]  }
0x28: {  	s2 =	sld [smem:$0x3FB0]  }
0x29: {  	s4 =	sld [smem:$0x3FB2]  }
0x2a: {  	p0 =	seq.s32 s5, $0x0;
	s5 =	sld [smem:$0x3FB3]  }
0x2b: {  	s6 =	sld [smem:$0x3FB4]  }
0x2c: {  	s7 =	sld [smem:$0x3FB5]  }
0x2d: {  	s3 =	simm.s32 $0x108;
	s8 =	sld [smem:$0x3FB6]  }
0x2e: {  	s3 =	simm.s32 @!p0 $0x1082;
	s9 =	sld [smem:$0x3FB7]  }
0x2f: {  	lr =	sadd.s32 s0, s3;
	s0 =	sld [smem:$0x3FAE]  }
0x30: {  	s3 =	sld [smem:$0x3FB1]  }
0x31: {  	[smem:$0x3FBA] =	sst s10  }
0x32: {  	s10 =	sld [smem:$0x3FB8];
	_ =	sdelay $0x3  }
0x33: {  	p0 =	seq.s32 s10, $0x1;
	s10 =	sld [smem:$0x3FBA];
	_ =	sdelay $0x3  }
0x34: {  	[smem:$0x3FBA] =	sst s10  }
0x35: {  	s10 =	sld [smem:$0x3FB9];
	_ =	sdelay $0x3  }
0x36: {  	p1 =	seq.s32 s10, $0x1;
	s10 =	sld [smem:$0x3FBA];
	_ =	sdelay $0x3  }
0x37: {  	[smem:$0x3FBA] =	sst s10  }
0x38: {  	s10 =	sld [smem:$0x3FBB]  }
0x39: {  	_ = 	snop;
	(pc) =	sbr.ind lr, $3  }
0x3a: {  	_ = 	snop  }
0x3b: {  	_ = 	snop  }
0x3c: {  	p2 =	seq.s32 s10, $0x1;
	s10 =	sld [smem:$0x3FBA]  }
0x3d: {  	_ =	shalt  }
0x3e: {  	_ =	shalt  }
0x3f: {  	_ =	shalt  }
0x40: {  	_ =	shalt  }
0x41: {  	_ =	shalt  }
0x42: {  	_ =	shalt  }
0x43: {  	_ =	shalt  }
0x44: {  	_ =	shalt  }
0x45: {  	_ =	shalt  }
0x46: {  	_ =	shalt  }
0x47: {  	_ =	shalt  }
0x48: {  	_ =	shalt  }
0x49: {  	_ =	shalt  }
0x4a: {  	_ =	shalt  }
0x4b: {  	_ =	shalt  }
0x4c: {  	_ =	shalt  }
0x4d: {  	_ =	shalt  }
0x4e: {  	_ =	shalt  }
0x4f: {  	_ =	shalt  }
0x50: {  	_ =	shalt  }
0x51: {  	_ =	shalt  }
0x52: {  	_ =	shalt  }
0x53: {  	_ =	shalt  }
0x54: {  	_ =	shalt  }
0x55: {  	_ =	shalt  }
0x56: {  	_ =	shalt  }
0x57: {  	_ =	shalt  }
0x58: {  	_ =	shalt  }
0x59: {  	_ =	shalt  }
0x5a: {  	_ =	shalt  }
0x5b: {  	_ =	shalt  }
0x5c: {  	_ =	shalt  }
0x5d: {  	_ =	shalt  }
0x5e: {  	_ =	shalt  }
0x5f: {  	_ =	shalt  }
0x60: {  	_ =	shalt  }
0x61: {  	_ =	shalt  }
0x62: {  	_ =	shalt  }
0x63: {  	_ =	shalt  }
0x64: {  	_ =	shalt  }
0x65: {  	_ =	shalt  }
0x66: {  	_ =	shalt  }
0x67: {  	_ =	shalt  }
0x68: {  	_ =	shalt  }
0x69: {  	_ =	shalt  }
0x6a: {  	_ =	shalt  }
0x6b: {  	_ =	shalt  }
0x6c: {  	_ =	shalt  }
0x6d: {  	_ =	shalt  }
0x6e: {  	_ =	shalt  }
0x6f: {  	_ =	shalt  }
0x70: {  	_ =	shalt  }
0x71: {  	_ =	shalt  }
0x72: {  	_ =	shalt  }
0x73: {  	_ =	shalt  }
0x74: {  	_ =	shalt  }
0x75: {  	_ =	shalt  }
0x76: {  	_ =	shalt  }
0x77: {  	_ =	shalt  }
0x78: {  	_ =	shalt  }
0x79: {  	_ =	shalt  }
0x7a: {  	_ =	shalt  }
0x7b: {  	_ =	shalt  }
0x7c: {  	_ =	shalt  }
0x7d: {  	_ =	shalt  }
0x7e: {  	_ =	shalt  }
0x7f: {  	_ =	shalt  }
0x80: {  	_ =	shalt  }
0x81: {  	_ =	shalt  }
0x82: {  	_ =	shalt  }
0x83: {  	_ =	shalt  }
0x84: {  	_ =	shalt  }
0x85: {  	_ =	shalt  }
0x86: {  	_ =	shalt  }
0x87: {  	_ =	shalt  }
.Lfunc_end0:
.L_simem_size_0:
called_computation.2_lowered:
.L_overlay_start_0:
0x88: {  	s2 =	sld [smem:$0x3FD9]  }
0x89: {  	s3 =	sld [smem:$0x3FFE];
	_ =	sdelay $0x1  }
0x8a: {  	s1 =	srdreg.scid  }
0x8b: {  	s0 =	sand.u32 $0x1, s1  }
0x8c: {  	s17 =	sshll.u32 s0, $0xA;
	s2 =	sadd.s32 s3, s2  }
0x8d: {  	s2 =	sadd.s32 s2, s17  }
0x8e: {  	[smem:$0x3FC6] =	sst s2  }
0x8f: {  	_ = 	snop  }
0x90: {  	s2 =	sld [smem:$0x3FD0];
	(tm) =	ssettm $0x1  }
0x91: {  	s18 =	sld [smem:$0x3FFB];
	_ =	sdelay $0x3  }
0x92: {  	_ =	strace s18  }
0x93: {  	s3 =	sld [smem:$0x3FFC];
	_ =	sdelay $0x3  }
0x94: {  	_ =	strace s3  }
0x95: {  	s3 =	sld [smem:$0x3FFD];
	_ =	sdelay $0x3  }
0x96: {  	_ =	strace s3  }
0x97: {  	_ =	strace $0x8FFFFFFF  }
0x98: {  	s19 =	sld [smem:$0x3FDB];
	_ =	sdelay $0x1  }
0x99: {  	s4 =	simm.s32 $_scs_section_size  }
0x9a: {  	s5 =	simm.s32 $_size__tile_overlayer_lowered;
	s6 =	simm.s32 $_tile_overlayer_lowered  }
0x9b: {  	s22 =	simm.s32 $0x1BFF;
	s21 =	sshll.u32 s6, $0x1;
	s3 =	sadd.s32 s4, s19  }
0x9c: {  	s7 =	simm.s32 $0x0;
	s20 =	sshll.u32 s5, $0x1;
	s5 =	sadd.s32 s21, s3  }
0x9d: {  	[timem:s7], [sflag:s22] =	dma.local [hbm:s5], s20  }
0x9e: {  	_ =	swait.ge [sflag:s22], s20  }
0x9f: {  	s4 =	ssub.s32 $0x0, s20;
	[sflag:s22] =	ssyncset.done $0x0  }
0xa0: {  	[sflag:s22] =	ssyncadd.s32 s4;
	_ =	sdelay $0x1  }
0xa1: {  	s23 =	simm.s32 $0x1B8B  }
0xa2: {  	_ =	swait.ge [sflag:s23], $0x1  }
0xa3: {  	[sflag:s23] =	ssyncset.done $0x0  }
0xa4: {  	s25 =	simm.s32 $0x1B8E;
	s24 =	sld [smem:$0x3FFE];
	[sflag:s23] =	ssyncadd.s32 $0xFFFFFFFF  }
0xa5: {  	s26 =	simm.s32 $execute0_lowered;
	[smem:$0x3FD2] =	sst s25  }
0xa6: {  	s5 =	sshll.u32 s26, $0x1;
	_ =	strace $0x80000049;
	[dreg:$0x1] =	wrdreg $0xFFFFFFFF  }
0xa7: {  	s28 =	simm.s32 $_size_execute0_lowered;
	s3 =	sadd.s32 s3, s5;
	[dreg:$0x0] =	wrdreg $0x0  }
0xa8: {  	s5 =	sshll.u32 s28, $0x1;
	[dreg:$0x2] =	wrdreg s3  }
0xa9: {  	[dreg:$0x3] =	wrdreg s5  }
0xaa: {  	[dreg:$0x4] =	wrdreg $0xC0  }
0xab: {  	_ =	task [dreg:s7], $0x5FFFF  }
0xac: {  	[dreg:$0x1] =	wrdreg $0xFFFFFFFF  }
0xad: {  	[dreg:$0x0] =	wrdreg $0x60  }
0xae: {  	[dreg:$0x2] =	wrdreg s2  }
0xaf: {  	[dreg:$0x3] =	wrdreg s24  }
0xb0: {  	[dreg:$0x4] =	wrdreg $0x9  }
0xb1: {  	_ =	task.clear_ibuf [dreg:s7], $0x5FFFF;
	_ =	strace $0x90000049  }
0xb2: {  	s29 =	simm.s32 $0x9;
	_ =	strace $0x8000004B  }
0xb3: {  	_ =	swait.ge [sflag:s29], $0x1  }
0xb4: {  	[sflag:s29] =	ssyncadd.s32 $0xFFFFFFFF  }
0xb5: {  	_ =	strace $0x9000004B  }
0xb6: {  	_ =	sfence  }
0xb7: {  	s30 =	sld [smem:$0x0];
	_ =	sdelay $0x2  }
0xb8: {  	s31 =	sshll.u32 s1, $0xD;
	s1 =	sshrl.u32 s1, $0x2  }
0xb9: {  	s3 =	sand.u32 $0x4000, s31;
	s1 =	sadd.s32 s1, s30  }
0xba: {  	s0 =	sor.u32 s3, s0;
	s1 =	sshll.u32 s1, $0x11  }
0xbb: {  	s0 =	sor.u32 s1, s0  }
0xbc: {  	s0 =	sadd.s32 $0x8F2B, s0  }
0xbd: {  	[sflag:s0] =	ssyncadd.remote.s32 $0x1  }
0xbe: {  	_ =	sfence.sel $0xFFFF  }
0xbf: {  	[dreg:$0x0] =	wrdreg $0xFFFFFFFF;
	(pc) =	sbr.abs _section_cstart, $3  }
0xc0: {  	[dreg:$0x1] =	wrdreg $0xFFFFFFFF  }
0xc1: {  	_ =	task.clear_ibuf [dreg:s7], $0x2FFFF;
	_ =	strace $0x9FFFFFFF  }
0xc2: {  	(tm) =	ssettm $0x7FFFFFFF  }
0xc3: {  	_ =	shalt  }
tec
execute0_lowered:
.L_overlay_start_1:
0x0: {  	(tag) =	ssettag $0x1  }
0x1: {  	s1 =	rddreg [dreg:$0x0]  }
0x2: {  	s0 =	rddreg [dreg:$0x1]  }
0x3: {  	s2 =	simm.s32 $0x0;
	s4 =	srdreg.scid;
	s9 =	stileid.u32  }
0x4: {  	s11 =	simm.s32 $0x80;
	s12 =	simm.s32 $0x400;
	s13 =	simm.s32 $0x1400  }
0x5: {  	s14 =	simm.s32 $0x100;
	s15 =	simm.s32 $0x2400;
	s16 =	simm.s32 $0x180  }
0x6: {  	s17 =	simm.s32 $0x3400;
	s18 =	simm.s32 $0x200;
	s19 =	simm.s32 $0x4400  }
0x7: {  	s20 =	simm.s32 $0x280;
	s21 =	simm.s32 $0x5400;
	s28 =	simm.s32 $0x10  }
0x8: {  	s29 =	simm.s32 $0x0;
	[smem:$0x7FF] =	sst s2;
	s3 =	sadd.s32 $0xC00, s0  }
0x9: {  	s0 =	sadd.s32 $0x50200, s0;
	s5 =	sand.u32 $0x1, s4;
	s7 =	smul.u32 $0x9EB00, s9  }
0xa: {  	s22 =	sshll.u32 s9, $0x1;
	s9 =	smul.u32 $0x27AC0, s9;
	_ =	strace $0x8000004A  }
0xb: {  	s6 =	ssub.s32 $0x2, s5;
	s4 =	sor.u32 s5, s22;
	s10 =	smul.u32 $0x13D60, s5  }
0xc: {  	s23 =	smul.u32 $0x4F580, s5;
	s22 =	simm.s32 $0x300;
	s8 =	sshrl.u32 s6, $0x1  }
0xd: {  	p0 =	seq.s32 s4, $0x1F;
	s4 =	simm.s32 $0x1A;
	s25 =	sadd.s32 s7, s0  }
0xe: {  	s6 =	ssub.s32 s6, s8;
	s4 =	simm.s32 @!p0 $0x16;
	s26 =	sadd.s32 s10, s9  }
0xf: {  	s10 =	simm.s32 $0x2;
	s24 =	smax.u32 s6, $0x1;
	s6 =	sadd.s32 s23, s25  }
0x10: {  	s30 =	sshrl.u32 s26, $0x3;
	s9 =	sadd.s32 $0x13C00, s26;
	s23 =	simm.s32 $0x6400  }
0x11: {  	s25 =	simm.s32 $0x7400;
	s26 =	simm.s32 $0x1;
	[dreg:$0x3] =	wrdreg s24  }
0x12: {  	s7 =	sadd.s32 s30, s3;
	s31 =	sshll.u32 s9, $0x2;
	s9 =	sshrl.u32 s9, $0x3  }
0x13: {  	s24 =	simm.s32 $0x380;
	s8 =	sadd.s32 s31, s0;
	s9 =	sadd.s32 s9, s3  }
.LBB2_1:
0x14: {  	s0 =	sadd.s32 $0x0, s7  }
0x15: {  	[tilespmem:s2], [sflag:$0x2] =	stream.linear.gather [hbm4b:s0+s2], $0x400, $0x38;
	[tilespmem:$0x8400] =	vst v63  }
0x16: {  	_ =	swait.ge [sflag:s10], $0x400  }
0x17: {  	[sflag:s10] =	ssyncset.done $0x0  }
0x18: {  	[sflag:s10] =	ssyncadd.s32 $0xFFFFFC00  }
0x19: {  	[tilespmem:s12], [sflag:$0x1] =	stream.indirect.gather [hbm4b:s1+s11], $0x20, s2, s11, $0xb8;
	[tilespmem:$0x8400] =	vst v63  }
0x1a: {  	_ = 	snop  }
0x1b: {  	[tilespmem:s13], [sflag:$0x1] =	stream.indirect.gather [hbm4b:s1+s11], $0x20, s11, s11, $0xb8;
	[tilespmem:$0x8400] =	vst v63  }
0x1c: {  	_ = 	snop  }
0x1d: {  	[tilespmem:s15], [sflag:$0x1] =	stream.indirect.gather [hbm4b:s1+s11], $0x20, s14, s11, $0xb8;
	[tilespmem:$0x8400] =	vst v63  }
0x1e: {  	_ = 	snop  }
0x1f: {  	[tilespmem:s17], [sflag:$0x1] =	stream.indirect.gather [hbm4b:s1+s11], $0x20, s16, s11, $0xb8;
	[tilespmem:$0x8400] =	vst v63  }
0x20: {  	_ = 	snop  }
0x21: {  	[tilespmem:s19], [sflag:$0x1] =	stream.indirect.gather [hbm4b:s1+s11], $0x20, s18, s11, $0xb8;
	[tilespmem:$0x8400] =	vst v63  }
0x22: {  	_ = 	snop  }
0x23: {  	[tilespmem:s21], [sflag:$0x1] =	stream.indirect.gather [hbm4b:s1+s11], $0x20, s20, s11, $0xb8;
	[tilespmem:$0x8400] =	vst v63  }
0x24: {  	_ = 	snop  }
0x25: {  	[tilespmem:s23], [sflag:$0x1] =	stream.indirect.gather [hbm4b:s1+s11], $0x20, s22, s11, $0xb8;
	[tilespmem:$0x8400] =	vst v63  }
0x26: {  	_ = 	snop  }
0x27: {  	[tilespmem:s25], [sflag:$0x1] =	stream.indirect.gather [hbm4b:s1+s11], $0x20, s24, s11, $0xb8;
	[tilespmem:$0x8400] =	vst v63  }
0x28: {  	_ =	swait.ge [sflag:s26], $0x1000  }
0x29: {  	[sflag:s26] =	ssyncset.done $0x0  }
0x2a: {  	[sflag:s26] =	ssyncadd.s32 $0xFFFFF000  }
0x2b: {  	_ =	swait.ge [sflag:s26], $0x1000  }
0x2c: {  	[sflag:s26] =	ssyncset.done $0x0  }
0x2d: {  	[sflag:s26] =	ssyncadd.s32 $0xFFFFF000  }
0x2e: {  	_ =	swait.ge [sflag:s26], $0x1000  }
0x2f: {  	[sflag:s26] =	ssyncset.done $0x0  }
0x30: {  	[sflag:s26] =	ssyncadd.s32 $0xFFFFF000  }
0x31: {  	_ =	swait.ge [sflag:s26], $0x1000  }
0x32: {  	[sflag:s26] =	ssyncset.done $0x0  }
0x33: {  	[sflag:s26] =	ssyncadd.s32 $0xFFFFF000  }
0x34: {  	_ =	swait.ge [sflag:s26], $0x1000  }
0x35: {  	[sflag:s26] =	ssyncset.done $0x0  }
0x36: {  	[sflag:s26] =	ssyncadd.s32 $0xFFFFF000  }
0x37: {  	_ =	swait.ge [sflag:s26], $0x1000  }
0x38: {  	[sflag:s26] =	ssyncset.done $0x0  }
0x39: {  	[sflag:s26] =	ssyncadd.s32 $0xFFFFF000  }
0x3a: {  	_ =	swait.ge [sflag:s26], $0x1000  }
0x3b: {  	[sflag:s26] =	ssyncset.done $0x0  }
0x3c: {  	[sflag:s26] =	ssyncadd.s32 $0xFFFFF000  }
0x3d: {  	_ =	swait.ge [sflag:s26], $0x1000  }
0x3e: {  	[sflag:s26] =	ssyncset.done $0x0  }
0x3f: {  	[sflag:s26] =	ssyncadd.s32 $0xFFFFF000  }
0x40: {  	[hbm4b:s6+s2] =	stream.linear.scatter [tilespmem:s12], [sflag:$0x2], $0x8000, $0x38;
	[tilespmem:$0x8400] =	vst v63  }
0x41: {  	s31 =	simm.s32 $0x80;
	_ =	swait.ge [sflag:s10], $0x8000  }
0x42: {  	s30 =	sadd.s32 $0x1000, s6;
	s0 =	simm.s32 $0x100;
	[sflag:s10] =	ssyncset.done $0x0  }
.LBB2_2:
0x43: {  	s5 =	sadd.s32 s31, s7  }
0x44: {  	[sflag:s10] =	ssyncadd.s32 $0xFFFF8000;
	s31 =	smov.u32 s0;
	s3 =	sadd.s32 $0x80, s0  }
0x45: {  	[tilespmem:s2], [sflag:$0x2] =	stream.linear.gather [hbm4b:s5+s2], $0x400, $0x38;
	[tilespmem:$0x8400] =	vst v63  }
0x46: {  	p0 =	sne.s32 s0, $0x2700;
	_ =	swait.ge [sflag:s10], $0x400  }
0x47: {  	[sflag:s10] =	ssyncset.done $0x0  }
0x48: {  	[sflag:s10] =	ssyncadd.s32 $0xFFFFFC00  }
0x49: {  	[tilespmem:s12], [sflag:$0x1] =	stream.indirect.gather [hbm4b:s1+s11], $0x20, s2, s11, $0xb8;
	[tilespmem:$0x8400] =	vst v63  }
0x4a: {  	_ = 	snop  }
0x4b: {  	[tilespmem:s13], [sflag:$0x1] =	stream.indirect.gather [hbm4b:s1+s11], $0x20, s11, s11, $0xb8;
	[tilespmem:$0x8400] =	vst v63  }
0x4c: {  	_ = 	snop  }
0x4d: {  	[tilespmem:s15], [sflag:$0x1] =	stream.indirect.gather [hbm4b:s1+s11], $0x20, s14, s11, $0xb8;
	[tilespmem:$0x8400] =	vst v63  }
0x4e: {  	_ = 	snop  }
0x4f: {  	[tilespmem:s17], [sflag:$0x1] =	stream.indirect.gather [hbm4b:s1+s11], $0x20, s16, s11, $0xb8;
	[tilespmem:$0x8400] =	vst v63  }
0x50: {  	_ = 	snop  }
0x51: {  	[tilespmem:s19], [sflag:$0x1] =	stream.indirect.gather [hbm4b:s1+s11], $0x20, s18, s11, $0xb8;
	[tilespmem:$0x8400] =	vst v63  }
0x52: {  	_ = 	snop  }
0x53: {  	[tilespmem:s21], [sflag:$0x1] =	stream.indirect.gather [hbm4b:s1+s11], $0x20, s20, s11, $0xb8;
	[tilespmem:$0x8400] =	vst v63  }
0x54: {  	_ = 	snop  }
0x55: {  	[tilespmem:s23], [sflag:$0x1] =	stream.indirect.gather [hbm4b:s1+s11], $0x20, s22, s11, $0xb8;
	[tilespmem:$0x8400] =	vst v63  }
0x56: {  	_ = 	snop  }
0x57: {  	[tilespmem:s25], [sflag:$0x1] =	stream.indirect.gather [hbm4b:s1+s11], $0x20, s24, s11, $0xb8;
	[tilespmem:$0x8400] =	vst v63  }
0x58: {  	_ =	swait.ge [sflag:s26], $0x1000  }
0x59: {  	[sflag:s26] =	ssyncset.done $0x0  }
0x5a: {  	[sflag:s26] =	ssyncadd.s32 $0xFFFFF000  }
0x5b: {  	_ =	swait.ge [sflag:s26], $0x1000  }
0x5c: {  	[sflag:s26] =	ssyncset.done $0x0  }
0x5d: {  	[sflag:s26] =	ssyncadd.s32 $0xFFFFF000  }
0x5e: {  	_ =	swait.ge [sflag:s26], $0x1000  }
0x5f: {  	[sflag:s26] =	ssyncset.done $0x0  }
0x60: {  	[sflag:s26] =	ssyncadd.s32 $0xFFFFF000  }
0x61: {  	_ =	swait.ge [sflag:s26], $0x1000  }
0x62: {  	[sflag:s26] =	ssyncset.done $0x0  }
0x63: {  	[sflag:s26] =	ssyncadd.s32 $0xFFFFF000  }
0x64: {  	_ =	swait.ge [sflag:s26], $0x1000  }
0x65: {  	[sflag:s26] =	ssyncset.done $0x0  }
0x66: {  	[sflag:s26] =	ssyncadd.s32 $0xFFFFF000  }
0x67: {  	_ =	swait.ge [sflag:s26], $0x1000  }
0x68: {  	[sflag:s26] =	ssyncset.done $0x0  }
0x69: {  	[sflag:s26] =	ssyncadd.s32 $0xFFFFF000  }
0x6a: {  	_ =	swait.ge [sflag:s26], $0x1000  }
0x6b: {  	[sflag:s26] =	ssyncset.done $0x0  }
0x6c: {  	[sflag:s26] =	ssyncadd.s32 $0xFFFFF000  }
0x6d: {  	_ =	swait.ge [sflag:s26], $0x1000  }
.Ltmp0:
0x6e: {  	[sflag:s26] =	ssyncset.done $0x0;
	(pc) =	sbr.rel @p0 .LBB2_2-.Ltmp0, $4  }
0x6f: {  	[sflag:s26] =	ssyncadd.s32 $0xFFFFF000  }
0x70: {  	[hbm4b:s30+s2] =	stream.linear.scatter [tilespmem:s12], [sflag:$0x2], $0x8000, $0x38;
	[tilespmem:$0x8400] =	vst v63  }
0x71: {  	_ =	swait.ge [sflag:s10], $0x8000  }
0x72: {  	s0 =	smov.u32 s3;
	s30 =	sadd.s32 $0x1000, s30;
	[sflag:s10] =	ssyncset.done $0x0  }
0x73: {  	s0 =	sadd.s32 s31, s7;
	[sflag:s10] =	ssyncadd.s32 $0xFFFF8000  }
0x74: {  	[tilespmem:s2], [sflag:$0x2] =	stream.linear.gather [hbm4b:s0+s2], $0x400, $0x38;
	[tilespmem:$0x8400] =	vst v63  }
0x75: {  	_ =	swait.ge [sflag:s10], $0x400  }
0x76: {  	[sflag:s10] =	ssyncset.done $0x0  }
0x77: {  	[sflag:s10] =	ssyncadd.s32 $0xFFFFFC00  }
0x78: {  	[tilespmem:s12], [sflag:$0x1] =	stream.indirect.gather [hbm4b:s1+s11], $0x20, s2, s11, $0xb8;
	[tilespmem:$0x8400] =	vst v63  }
0x79: {  	_ = 	snop  }
0x7a: {  	[tilespmem:s13], [sflag:$0x1] =	stream.indirect.gather [hbm4b:s1+s11], $0x20, s11, s11, $0xb8;
	[tilespmem:$0x8400] =	vst v63  }
0x7b: {  	_ = 	snop  }
0x7c: {  	[tilespmem:s15], [sflag:$0x1] =	stream.indirect.gather [hbm4b:s1+s11], $0x20, s14, s11, $0xb8;
	[tilespmem:$0x8400] =	vst v63  }
0x7d: {  	_ = 	snop  }
0x7e: {  	[tilespmem:s17], [sflag:$0x1] =	stream.indirect.gather [hbm4b:s1+s11], $0x20, s16, s11, $0xb8;
	[tilespmem:$0x8400] =	vst v63  }
0x7f: {  	_ = 	snop  }
0x80: {  	[tilespmem:s19], [sflag:$0x1] =	stream.indirect.gather [hbm4b:s1+s11], $0x20, s18, s11, $0xb8;
	[tilespmem:$0x8400] =	vst v63  }
0x81: {  	_ = 	snop  }
0x82: {  	[tilespmem:s21], [sflag:$0x1] =	stream.indirect.gather [hbm4b:s1+s11], $0x20, s20, s11, $0xb8;
	[tilespmem:$0x8400] =	vst v63  }
0x83: {  	_ = 	snop  }
0x84: {  	[tilespmem:s23], [sflag:$0x1] =	stream.indirect.gather [hbm4b:s1+s11], $0x20, s22, s11, $0xb8;
	[tilespmem:$0x8400] =	vst v63  }
0x85: {  	_ = 	snop  }
0x86: {  	[tilespmem:s25], [sflag:$0x1] =	stream.indirect.gather [hbm4b:s1+s11], $0x20, s24, s11, $0xb8;
	[tilespmem:$0x8400] =	vst v63  }
0x87: {  	_ =	swait.ge [sflag:s26], $0x1000  }
0x88: {  	[sflag:s26] =	ssyncset.done $0x0  }
0x89: {  	[sflag:s26] =	ssyncadd.s32 $0xFFFFF000  }
0x8a: {  	_ =	swait.ge [sflag:s26], $0x1000  }
0x8b: {  	[sflag:s26] =	ssyncset.done $0x0  }
0x8c: {  	[sflag:s26] =	ssyncadd.s32 $0xFFFFF000  }
0x8d: {  	_ =	swait.ge [sflag:s26], $0x1000  }
0x8e: {  	[sflag:s26] =	ssyncset.done $0x0  }
0x8f: {  	[sflag:s26] =	ssyncadd.s32 $0xFFFFF000  }
0x90: {  	_ =	swait.ge [sflag:s26], $0x1000  }
0x91: {  	[sflag:s26] =	ssyncset.done $0x0  }
0x92: {  	[sflag:s26] =	ssyncadd.s32 $0xFFFFF000  }
0x93: {  	_ =	swait.ge [sflag:s26], $0x1000  }
0x94: {  	[sflag:s26] =	ssyncset.done $0x0  }
0x95: {  	[sflag:s26] =	ssyncadd.s32 $0xFFFFF000  }
0x96: {  	_ =	swait.ge [sflag:s26], $0x1000  }
0x97: {  	[sflag:s26] =	ssyncset.done $0x0  }
0x98: {  	[sflag:s26] =	ssyncadd.s32 $0xFFFFF000  }
0x99: {  	_ =	swait.ge [sflag:s26], $0x1000  }
0x9a: {  	[sflag:s26] =	ssyncset.done $0x0  }
0x9b: {  	[sflag:s26] =	ssyncadd.s32 $0xFFFFF000  }
0x9c: {  	_ =	swait.ge [sflag:s26], $0x1000  }
0x9d: {  	[sflag:s26] =	ssyncset.done $0x0  }
0x9e: {  	[sflag:s26] =	ssyncadd.s32 $0xFFFFF000  }
0x9f: {  	[hbm4b:s30+s2] =	stream.linear.scatter [tilespmem:s12], [sflag:$0x2], $0x8000, $0x38;
	[tilespmem:$0x8400] =	vst v63  }
0xa0: {  	_ =	swait.ge [sflag:s10], $0x8000  }
0xa1: {  	[sflag:s10] =	ssyncset.done $0x0  }
0xa2: {  	[sflag:s10] =	ssyncadd.s32 $0xFFFF8000  }
0xa3: {  	[tilespmem:s2], [sflag:$0x2] =	stream.linear.gather [hbm4b:s9+s2], $0x10, $0x38;
	[tilespmem:$0x8400] =	vst v63  }
0xa4: {  	_ =	swait.ge [sflag:s10], $0x10  }
0xa5: {  	[sflag:s10] =	ssyncset.done $0x0  }
0xa6: {  	[sflag:s10] =	ssyncadd.s32 $0xFFFFFFF0  }
0xa7: {  	[tilespmem:s12], [sflag:$0x1] =	stream.indirect.gather [hbm4b:s1+s28], $0x20, s2, s28, $0xb8;
	[tilespmem:$0x8400] =	vst v63  }
0xa8: {  	p0 =	sne.s32 s4, $0x1;
	_ =	swait.ge [sflag:s26], $0x200  }
.Ltmp1:
0xa9: {  	[sflag:s26] =	ssyncset.done $0x0;
	(pc) =	sbr.rel @!p0 .LBB2_5-.Ltmp1, $4  }
0xaa: {  	[sflag:s26] =	ssyncadd.s32 $0xFFFFFE00  }
0xab: {  	[hbm4b:s8+s2] =	stream.linear.scatter [tilespmem:s12], [sflag:$0x2], $0x200, $0x38;
	[tilespmem:$0x8400] =	vst v63  }
0xac: {  	s31 =	smov.u32 s9;
	_ =	swait.ge [sflag:s10], $0x200  }
0xad: {  	s0 =	sadd.s32 $0xFFFFFFFF, s4;
	s30 =	smov.u32 s8;
	[sflag:s10] =	ssyncset.done $0x0  }
.LBB2_4:
0xae: {  	[sflag:s10] =	ssyncadd.s32 $0xFFFFFE00;
	s30 =	sadd.s32 $0x40, s30;
	s31 =	sadd.s32 $0x2, s31  }
0xaf: {  	[tilespmem:s2], [sflag:$0x2] =	stream.linear.gather [hbm4b:s31+s2], $0x10, $0x38;
	[tilespmem:$0x8400] =	vst v63  }
0xb0: {  	p0 =	sne.s32 s0, $0x1;
	s0 =	sadd.s32 $0xFFFFFFFF, s0;
	_ =	swait.ge [sflag:s10], $0x10  }
0xb1: {  	[sflag:s10] =	ssyncset.done $0x0  }
0xb2: {  	[sflag:s10] =	ssyncadd.s32 $0xFFFFFFF0  }
0xb3: {  	[tilespmem:s12], [sflag:$0x1] =	stream.indirect.gather [hbm4b:s1+s28], $0x20, s2, s28, $0xb8;
	[tilespmem:$0x8400] =	vst v63  }
0xb4: {  	_ =	swait.ge [sflag:s26], $0x200  }
.Ltmp2:
0xb5: {  	[sflag:s26] =	ssyncset.done $0x0;
	(pc) =	sbr.rel @p0 .LBB2_4-.Ltmp2, $4  }
0xb6: {  	[sflag:s26] =	ssyncadd.s32 $0xFFFFFE00  }
0xb7: {  	[hbm4b:s30+s2] =	stream.linear.scatter [tilespmem:s12], [sflag:$0x2], $0x200, $0x38;
	[tilespmem:$0x8400] =	vst v63  }
0xb8: {  	_ =	swait.ge [sflag:s10], $0x200  }
0xb9: {  	[sflag:s10] =	ssyncset.done $0x0  }
.LBB2_5:
0xba: {  	s29 =	sadd.s32 $0x1, s29;
	s0 =	rddreg [dreg:$0x3]  }
0xbb: {  	p0 =	sne.s32 s29, s0  }
.Ltmp3:
0xbc: {  	_ = 	snop;
	(pc) =	sbr.rel @p0 .LBB2_1-.Ltmp3, $2  }
0xbd: {  	_ =	sdelay $0x2  }
0xbe: {  	[sflag:s10] =	ssyncadd.s32 $0xFFFFFE00  }
0xbf: {  	_ =	sfence.sel $0x180000  }
0xc0: {  	[bflag:$0x0] =	sbarrier.arrive $0xFFFF  }
0xc1: {  	_ =	strace $0x9000004A  }
0xc2: {  	s0 =	stileid.u32;
	[bflag:$0x2] =	sbarrier.arrive $0xFFFF  }
0xc3: {  	p0 =	sne.s32 s0, $0x0;
	s0 =	rddreg [dreg:$0x2]  }
0xc4: {  	s0 =	sadd.s32 @!p0 $0x100000, s0  }
0xc5: {  	[sflag:s0] =	ssyncadd.tile.s32 @!p0 $0x1;
	_ =	shalt  }
.Lfunc_end2:
_tile_overlayer_lowered:
.L_overlay_start_2:
0xc6: {  	(tag) =	ssettag $0x2  }
0xc7: {  	s0 =	rddreg [dreg:$0x0];
	s2 =	stileid.u32  }
0xc8: {  	s1 =	rddreg [dreg:$0x1];
	p0 =	sne.s32 s2, $0x0  }
0xc9: {  	s3 =	rddreg [dreg:$0x2];
	[bflag:$0x3] =	sbarrier.arrive $0xFFFF;
	s2 =	simm.s32 @!p0 $0x1C02  }
0xca: {  	[timem:s3], [sflag:s2] =	dma.local @!p0 [hbm:s0], s1  }
0xcb: {  	s0 =	simm.s32 @!p0 $0x2  }
0xcc: {  	_ =	swait.ge @!p0 [sflag:s0], s1  }
0xcd: {  	s1 =	ssub.s32 @!p0 $0x0, s1;
	[sflag:s0] =	ssyncset.done @!p0 $0x0  }
0xce: {  	[sflag:s0] =	ssyncadd.s32 @!p0 s1  }
0xcf: {  	[bflag:$0x3] =	sbarrier.arrive $0xFFFF  }
0xd0: {  	_ =	shalt  }

// kernel: kernel.3.cloned.1.call-start
scs
__scs_entry_jumppad:
0x0: {  	(pc) =	sbr.rel $0x88, $3  }
0x1: {  	(tag) =	ssettag $0x0;
	lr =	simm.s32 $0x1  }
0x2: {  	[smem:$0x3F9F] =	sst lr;
	_ =	strace $0xD0000000  }
0x3: {  	_ = 	snop  }
0x4: {  	_ = 	snop  }
0x5: {  	_ = 	snop  }
0x6: {  	_ = 	snop  }
0x7: {  	_ = 	snop  }
__scs_overlays_trampoline_lowered:
0x8: {  	[smem:$0x3FAE] =	sst s0  }
0x9: {  	[smem:$0x3FAF] =	sst s1  }
0xa: {  	[smem:$0x3FB0] =	sst s2  }
0xb: {  	[smem:$0x3FB1] =	sst s3  }
0xc: {  	[smem:$0x3FB2] =	sst s4  }
0xd: {  	[smem:$0x3FB3] =	sst s5  }
0xe: {  	[smem:$0x3FB4] =	sst s6  }
0xf: {  	[smem:$0x3FB5] =	sst s7  }
0x10: {  	[smem:$0x3FB6] =	sst s8  }
0x11: {  	[smem:$0x3FB7] =	sst s9;
	s0 =	simm.s32 @!p0 $0x0  }
0x12: {  	s1 =	sld [smem:$0x3F9D];
	s0 =	simm.s32 @p0 $0x1  }
0x13: {  	[smem:$0x3FB8] =	sst s0;
	s0 =	simm.s32 @!p1 $0x0  }
0x14: {  	s2 =	sld [smem:$0x3F9C];
	s0 =	simm.s32 @p1 $0x1  }
0x15: {  	[smem:$0x3FB9] =	sst s0;
	s0 =	simm.s32 @!p2 $0x0  }
0x16: {  	s3 =	sld [smem:$0x3FDB];
	s0 =	simm.s32 @p2 $0x1  }
0x17: {  	s4 =	simm.s32 $0x1BF5;
	[smem:$0x3FBB] =	sst s0  }
0x18: {  	s0 =	sld [smem:$0x3F9E];
	_ =	swait.ge [sflag:s4], $0x0  }
0x19: {  	s7 =	sld [smem:$0x3F9F]  }
0x1a: {  	s8 =	sadd.s32 $0xFFFFE003, lr  }
0x1b: {  	s9 =	sadd.s32 $0xFFFFFEF7, lr;
	s5 =	simm.s32 $0xFFFFFFFF;
	p2 =	slt.u32 s8, $0xFFFFF086  }
0x1c: {  	p1 =	slt.u32 s9, $0xF7A;
	s5 =	simm.s32 @!p2 $0x0  }
0x1d: {  	s5 =	simm.s32 @p1 $0x1;
	p0 =	seq.s32 s7, s2  }
0x1e: {  	s7 =	smul.u32 @!p0 $0xF7A, s2;
	p2 =	seq.s32 @!p0 s5, $0x0  }
0x1f: {  	s9 =	smul.u32 $0xF7A, s1;
	s8 =	simm.s32 @!p0 $0x1BF5;
	p2 =	por !p2, p0  }
0x20: {  	[sflag:s8] =	ssyncset.s32 @!p0 $0xFFFFF086;
	s6 =	sadd.s32 @!p0 s3, s7;
	s7 =	simm.s32 @!p0 $0x108  }
0x21: {  	s3 =	sadd.s32 s3, s9;
	s6 =	sadd.s32 @!p0 $0x88, s6;
	s7 =	simm.s32 @p2 $0x1082  }
0x22: {  	[simem:s7], [sflag:s8] =	dma.local @!p0 [hbm:s6], $0xF7A  }
0x23: {  	s9 =	sor.u32 $0xD0000000, s2;
	s6 =	simm.s32 $0x108;
	_ =	swait.ge @!p0 [sflag:s8], $0x0  }
0x24: {  	s3 =	sadd.s32 $0x88, s3;
	s6 =	simm.s32 @!p1 $0x1082;
	[sflag:s4] =	ssyncset.s32 $0xFFFFF086  }
0x25: {  	[simem:s6], [sflag:s4] =	dma.local [hbm:s3], $0xF7A  }
0x26: {  	[smem:$0x3F9F] =	sst s1;
	(tag) =	ssettag s2;
	_ =	strace s9  }
0x27: {  	s1 =	sld [smem:$0x3FAF]  }
0x28: {  	s2 =	sld [smem:$0x3FB0]  }
0x29: {  	s4 =	sld [smem:$0x3FB2]  }
0x2a: {  	p0 =	seq.s32 s5, $0x0;
	s5 =	sld [smem:$0x3FB3]  }
0x2b: {  	s6 =	sld [smem:$0x3FB4]  }
0x2c: {  	s7 =	sld [smem:$0x3FB5]  }
0x2d: {  	s3 =	simm.s32 $0x108;
	s8 =	sld [smem:$0x3FB6]  }
0x2e: {  	s3 =	simm.s32 @!p0 $0x1082;
	s9 =	sld [smem:$0x3FB7]  }
0x2f: {  	lr =	sadd.s32 s0, s3;
	s0 =	sld [smem:$0x3FAE]  }
0x30: {  	s3 =	sld [smem:$0x3FB1]  }
0x31: {  	[smem:$0x3FBA] =	sst s10  }
0x32: {  	s10 =	sld [smem:$0x3FB8];
	_ =	sdelay $0x3  }
0x33: {  	p0 =	seq.s32 s10, $0x1;
	s10 =	sld [smem:$0x3FBA];
	_ =	sdelay $0x3  }
0x34: {  	[smem:$0x3FBA] =	sst s10  }
0x35: {  	s10 =	sld [smem:$0x3FB9];
	_ =	sdelay $0x3  }
0x36: {  	p1 =	seq.s32 s10, $0x1;
	s10 =	sld [smem:$0x3FBA];
	_ =	sdelay $0x3  }
0x37: {  	[smem:$0x3FBA] =	sst s10  }
0x38: {  	s10 =	sld [smem:$0x3FBB]  }
0x39: {  	_ = 	snop;
	(pc) =	sbr.ind lr, $3  }
0x3a: {  	_ = 	snop  }
0x3b: {  	_ = 	snop  }
0x3c: {  	p2 =	seq.s32 s10, $0x1;
	s10 =	sld [smem:$0x3FBA]  }
0x3d: {  	_ =	shalt  }
0x3e: {  	_ =	shalt  }
0x3f: {  	_ =	shalt  }
0x40: {  	_ =	shalt  }
0x41: {  	_ =	shalt  }
0x42: {  	_ =	shalt  }
0x43: {  	_ =	shalt  }
0x44: {  	_ =	shalt  }
0x45: {  	_ =	shalt  }
0x46: {  	_ =	shalt  }
0x47: {  	_ =	shalt  }
0x48: {  	_ =	shalt  }
0x49: {  	_ =	shalt  }
0x4a: {  	_ =	shalt  }
0x4b: {  	_ =	shalt  }
0x4c: {  	_ =	shalt  }
0x4d: {  	_ =	shalt  }
0x4e: {  	_ =	shalt  }
0x4f: {  	_ =	shalt  }
0x50: {  	_ =	shalt  }
0x51: {  	_ =	shalt  }
0x52: {  	_ =	shalt  }
0x53: {  	_ =	shalt  }
0x54: {  	_ =	shalt  }
0x55: {  	_ =	shalt  }
0x56: {  	_ =	shalt  }
0x57: {  	_ =	shalt  }
0x58: {  	_ =	shalt  }
0x59: {  	_ =	shalt  }
0x5a: {  	_ =	shalt  }
0x5b: {  	_ =	shalt  }
0x5c: {  	_ =	shalt  }
0x5d: {  	_ =	shalt  }
0x5e: {  	_ =	shalt  }
0x5f: {  	_ =	shalt  }
0x60: {  	_ =	shalt  }
0x61: {  	_ =	shalt  }
0x62: {  	_ =	shalt  }
0x63: {  	_ =	shalt  }
0x64: {  	_ =	shalt  }
0x65: {  	_ =	shalt  }
0x66: {  	_ =	shalt  }
0x67: {  	_ =	shalt  }
0x68: {  	_ =	shalt  }
0x69: {  	_ =	shalt  }
0x6a: {  	_ =	shalt  }
0x6b: {  	_ =	shalt  }
0x6c: {  	_ =	shalt  }
0x6d: {  	_ =	shalt  }
0x6e: {  	_ =	shalt  }
0x6f: {  	_ =	shalt  }
0x70: {  	_ =	shalt  }
0x71: {  	_ =	shalt  }
0x72: {  	_ =	shalt  }
0x73: {  	_ =	shalt  }
0x74: {  	_ =	shalt  }
0x75: {  	_ =	shalt  }
0x76: {  	_ =	shalt  }
0x77: {  	_ =	shalt  }
0x78: {  	_ =	shalt  }
0x79: {  	_ =	shalt  }
0x7a: {  	_ =	shalt  }
0x7b: {  	_ =	shalt  }
0x7c: {  	_ =	shalt  }
0x7d: {  	_ =	shalt  }
0x7e: {  	_ =	shalt  }
0x7f: {  	_ =	shalt  }
0x80: {  	_ =	shalt  }
0x81: {  	_ =	shalt  }
0x82: {  	_ =	shalt  }
0x83: {  	_ =	shalt  }
0x84: {  	_ =	shalt  }
0x85: {  	_ =	shalt  }
0x86: {  	_ =	shalt  }
0x87: {  	_ =	shalt  }
.Lfunc_end0:
.L_simem_size_0:
called_computation.1_lowered:
.L_overlay_start_0:
0x88: {  	s2 =	sld [smem:$0x3FD9]  }
0x89: {  	s3 =	sld [smem:$0x3FFE];
	_ =	sdelay $0x1  }
0x8a: {  	s1 =	srdreg.scid  }
0x8b: {  	s0 =	sand.u32 $0x1, s1  }
0x8c: {  	s17 =	sshll.u32 s0, $0xA;
	s2 =	sadd.s32 s3, s2  }
0x8d: {  	s2 =	sadd.s32 s2, s17  }
0x8e: {  	[smem:$0x3FC6] =	sst s2  }
0x8f: {  	_ = 	snop  }
0x90: {  	s2 =	sld [smem:$0x3FC9];
	(tm) =	ssettm $0x1  }
0x91: {  	s18 =	sld [smem:$0x3FFB];
	_ =	sdelay $0x3  }
0x92: {  	_ =	strace s18  }
0x93: {  	s3 =	sld [smem:$0x3FFC];
	_ =	sdelay $0x3  }
0x94: {  	_ =	strace s3  }
0x95: {  	s3 =	sld [smem:$0x3FFD];
	_ =	sdelay $0x3  }
0x96: {  	_ =	strace s3  }
0x97: {  	_ =	strace $0x8FFFFFFF  }
0x98: {  	s19 =	sld [smem:$0x3FDB];
	_ =	sdelay $0x1  }
0x99: {  	s4 =	simm.s32 $_scs_section_size  }
0x9a: {  	s5 =	simm.s32 $_size__tile_overlayer_lowered;
	s6 =	simm.s32 $_tile_overlayer_lowered  }
0x9b: {  	s22 =	simm.s32 $0x1BFF;
	s21 =	sshll.u32 s6, $0x1;
	s3 =	sadd.s32 s4, s19  }
0x9c: {  	s7 =	simm.s32 $0x0;
	s20 =	sshll.u32 s5, $0x1;
	s5 =	sadd.s32 s21, s3  }
0x9d: {  	[timem:s7], [sflag:s22] =	dma.local [hbm:s5], s20  }
0x9e: {  	_ =	swait.ge [sflag:s22], s20  }
0x9f: {  	s4 =	ssub.s32 $0x0, s20;
	[sflag:s22] =	ssyncset.done $0x0  }
0xa0: {  	[sflag:s22] =	ssyncadd.s32 s4;
	_ =	sdelay $0x1  }
0xa1: {  	s23 =	simm.s32 $0x1B8B  }
0xa2: {  	_ =	swait.ge [sflag:s23], $0x1  }
0xa3: {  	[sflag:s23] =	ssyncset.done $0x0  }
0xa4: {  	s25 =	simm.s32 $0x1B8E;
	s24 =	sld [smem:$0x3FFE];
	[sflag:s23] =	ssyncadd.s32 $0xFFFFFFFF  }
0xa5: {  	s26 =	simm.s32 $execute0_lowered;
	[smem:$0x3FD2] =	sst s25  }
0xa6: {  	s5 =	sshll.u32 s26, $0x1;
	_ =	strace $0x80000046;
	[dreg:$0x1] =	wrdreg $0xFFFFFFFF  }
0xa7: {  	s28 =	simm.s32 $_size_execute0_lowered;
	s3 =	sadd.s32 s3, s5;
	[dreg:$0x0] =	wrdreg $0x0  }
0xa8: {  	s5 =	sshll.u32 s28, $0x1;
	[dreg:$0x2] =	wrdreg s3  }
0xa9: {  	[dreg:$0x3] =	wrdreg s5  }
0xaa: {  	[dreg:$0x4] =	wrdreg $0xC0  }
0xab: {  	_ =	task [dreg:s7], $0x5FFFF  }
0xac: {  	[dreg:$0x1] =	wrdreg $0xFFFFFFFF  }
0xad: {  	[dreg:$0x0] =	wrdreg $0x60  }
0xae: {  	[dreg:$0x2] =	wrdreg s2  }
0xaf: {  	[dreg:$0x3] =	wrdreg s24  }
0xb0: {  	[dreg:$0x4] =	wrdreg $0x9  }
0xb1: {  	_ =	task.clear_ibuf [dreg:s7], $0x5FFFF;
	_ =	strace $0x90000046  }
0xb2: {  	s29 =	simm.s32 $0x9;
	_ =	strace $0x80000048  }
0xb3: {  	_ =	swait.ge [sflag:s29], $0x1  }
0xb4: {  	[sflag:s29] =	ssyncadd.s32 $0xFFFFFFFF  }
0xb5: {  	_ =	strace $0x90000048  }
0xb6: {  	_ =	sfence  }
0xb7: {  	s30 =	sld [smem:$0x0];
	_ =	sdelay $0x2  }
0xb8: {  	s31 =	sshll.u32 s1, $0xD;
	s1 =	sshrl.u32 s1, $0x2  }
0xb9: {  	s3 =	sand.u32 $0x4000, s31;
	s1 =	sadd.s32 s1, s30  }
0xba: {  	s0 =	sor.u32 s3, s0;
	s1 =	sshll.u32 s1, $0x11  }
0xbb: {  	s0 =	sor.u32 s1, s0  }
0xbc: {  	s0 =	sadd.s32 $0x8F2B, s0  }
0xbd: {  	[sflag:s0] =	ssyncadd.remote.s32 $0x1  }
0xbe: {  	_ =	sfence.sel $0xFFFF  }
0xbf: {  	[dreg:$0x0] =	wrdreg $0xFFFFFFFF;
	(pc) =	sbr.abs _section_cstart, $3  }
0xc0: {  	[dreg:$0x1] =	wrdreg $0xFFFFFFFF  }
0xc1: {  	_ =	task.clear_ibuf [dreg:s7], $0x2FFFF;
	_ =	strace $0x9FFFFFFF  }
0xc2: {  	(tm) =	ssettm $0x7FFFFFFF  }
0xc3: {  	_ =	shalt  }
tec
execute0_lowered:
.L_overlay_start_1:
0x0: {  	(tag) =	ssettag $0x1  }
0x1: {  	s1 =	stileid.u32  }
0x2: {  	p0 =	sgt.u32 s1, $0xC  }
.Ltmp0:
0x3: {  	_ = 	snop;
	(pc) =	sbr.rel @p0 .LBB2_9-.Ltmp0, $4  }
0x4: {  	s2 =	rddreg [dreg:$0x0]  }
0x5: {  	s5 =	rddreg [dreg:$0x1];
	s3 =	simm.s32 $0x0  }
0x6: {  	[smem:$0x7FF] =	sst s3  }
0x7: {  	s0 =	rddreg [dreg:$0x2];
	_ =	strace $0x80000047  }
0x8: {  	s4 =	srdreg.scid  }
0x9: {  	s30 =	sshll.u32 s1, $0x1;
	s8 =	smul.u32 $0x30D40, s1;
	s6 =	sand.u32 $0x1, s4  }
0xa: {  	s4 =	sor.u32 s6, s30;
	s11 =	smul.u32 $0x186A0, s6  }
0xb: {  	s7 =	ssub.s32 $0x2, s6;
	s4 =	smul.u32 $0x186A0, s4  }
0xc: {  	s10 =	sshrl.u32 s7, $0x1  }
0xd: {  	s31 =	ssub.s32 s7, s10;
	s7 =	sadd.s32 s11, s8;
	s9 =	sshrl.u32 s4, $0x3  }
0xe: {  	s8 =	simm.s32 $0x1;
	s10 =	simm.s32 $0x0;
	s5 =	sadd.s32 s9, s5  }
0xf: {  	v1 =	vimm.s32 $0x0;
	v2 =	vlaneseq.u32;
	s6 =	smax.u32 s31, $0x1;
	v0 =	vmov s4;
	s9 =	simm.s32 $0x1000;
	s5 =	sadd.s32 $0xC00, s5  }
.LBB2_2:
0x10: {  	s11 =	simm.s32 $0x0;
	s12 =	simm.s32 $0x40;
	s13 =	simm.s32 $0x0  }
.LBB2_3:
0x11: {  	p0 =	sne.s32 s12, $0x61A40;
	[tilespmem:s13+$0x1000] =	vst v0;
	s13 =	smov.u32 s12;
	s12 =	sadd.s32 $0x40, s12  }
.Ltmp1:
0x12: {  	(pc) =	sbr.rel @p0 .LBB2_3-.Ltmp1, $2  }
0x13: {  	_ =	sdelay $0x2  }
0x14: {  	s13 =	sshra.s32 s13, $0x2  }
0x15: {  	[tilespmem:s13+$0x1000] =	vst v0;
	s12 =	smov.u32 s7;
	s13 =	simm.s32 $0x0  }
.LBB2_5:
0x16: {  	s14 =	smul.u32 $0xFA0, s13;
	_ =	sdelay $0x1  }
0x17: {  	s14 =	sadd.s32 s4, s14  }
0x18: {  	s14 =	sshrl.u32 s14, $0x3  }
0x19: {  	s15 =	simm.s32 $0x0;
	s14 =	sadd.s32 s2, s14  }
0x1a: {  	[tilespmem:s15], [sflag:$0x1] =	stream.linear.gather [hbm4b:s14+s15], $0xFA0, $0x38;
	[tilespmem:$0x19700] =	vst v63  }
0x1b: {  	_ =	swait.ge [sflag:s8], $0xFA0  }
0x1c: {  	[sflag:s8] =	ssyncset.done $0x0  }
0x1d: {  	s31 =	simm.s32 $0x0;
	[sflag:s8] =	ssyncadd.s32 $0xFFFFF060  }
0x1e: {  	v3 =	vld [tilespmem:s31+$0x0];
	_ =	sdelay $0x4  }
0x1f: {  	v3 =	vtrunc.f32 v3  }
0x20: {  	v3 =	vcvt.f32.s32 v3;
	_ =	sdelay $0x1  }
0x21: {  	vm0 =	veq.s32 v3, $0x1  }
0x22: {  	v3 =	vsel vm0, $0x1, v1  }
0x23: {  	(xrf0) =	vadd.scan.msk.s32 $0xffff, v3;
	_ =	sdelay $0x4  }
0x24: {  	v3 =	vsel vm0, $0xFFFFFFFF, v1  }
0x25: {  	v3 =	vadd.s32 s11, v3;
	v4, _, _ =	vpop (xrf0)  }
0x26: {  	v3 =	vadd.s32 v4, v3;
	(v2sf) =	vpush v4, $0xF;
	_ =	sdelay $0x3  }
0x27: {  	v5 =	vor.u32 s12, v2  }
0x28: {  	s16 =	simm.s32 $0x10;
	s15 =	simm.s32 $0x80;
	s14 =	smov.u32 s12;
	[tilespmem:v3+s9+$0x0] =	vst.idx.msk vm0, v5  }
.LBB2_6:
0x29: {  	p0 =	sne.s32 s15, $0x3E40;
	v3 =	vld [tilespmem:s16+$0x0];
	_ =	sdelay $0x4  }
0x2a: {  	v3 =	vtrunc.f32 v3  }
0x2b: {  	v3 =	vcvt.f32.s32 v3;
	_ =	sdelay $0x1  }
0x2c: {  	vm0 =	veq.s32 v3, $0x1  }
0x2d: {  	v3 =	vsel vm0, $0xFFFFFFFF, v1;
	v4 =	vsel vm0, $0x1, v1;
	s16 =	spop (v2sf)  }
0x2e: {  	(xrf0) =	vadd.scan.msk.s32 $0xffff, v4;
	s11 =	sadd.s32 s11, s16  }
0x2f: {  	v3 =	vadd.s32 s11, v3;
	_ =	sdelay $0x4  }
0x30: {  	v4, _, _ =	vpop (xrf0)  }
0x31: {  	v3 =	vadd.s32 v4, v3;
	(v2sf) =	vpush v4, $0xF  }
.Ltmp2:
0x32: {  	(pc) =	sbr.rel @p0 .LBB2_6-.Ltmp2, $4  }
0x33: {  	_ = 	snop  }
0x34: {  	s14 =	sadd.s32 $0x10, s14  }
0x35: {  	v4 =	vor.u32 s14, v2  }
0x36: {  	s16 =	sshra.s32 s15, $0x2;
	s15 =	sadd.s32 $0x40, s15;
	[tilespmem:v3+s9+$0x0] =	vst.idx.msk vm0, v4  }
0x37: {  	v3 =	vld [tilespmem:s16+$0x0];
	_ =	sdelay $0x4  }
0x38: {  	v3 =	vtrunc.f32 v3  }
0x39: {  	v3 =	vcvt.f32.s32 v3;
	_ =	sdelay $0x1  }
0x3a: {  	vm0 =	veq.s32 v3, $0x1  }
0x3b: {  	v3 =	vsel vm0, $0x1, v1  }
0x3c: {  	(xrf0) =	vadd.scan.msk.s32 $0xffff, v3;
	_ =	sdelay $0x5  }
0x3d: {  	v3, _, _ =	vpop (xrf0)  }
0x3e: {  	(v2sf) =	vpush v3, $0xF;
	_ =	sdelay $0x7  }
0x3f: {  	s15 =	spop (v2sf)  }
0x40: {  	v4 =	vsel vm0, $0xFFFFFFFF, v1;
	s11 =	sadd.s32 s11, s15  }
0x41: {  	s13 =	sadd.s32 $0x1, s13;
	v4 =	vadd.s32 s11, v4  }
0x42: {  	p0 =	sne.s32 s13, $0x19;
	v3 =	vadd.s32 v3, v4  }
.Ltmp3:
0x43: {  	_ = 	snop;
	(pc) =	sbr.rel @p0 .LBB2_5-.Ltmp3, $4  }
0x44: {  	_ = 	snop  }
0x45: {  	s14 =	sadd.s32 $0x10, s14  }
0x46: {  	v63 =	vor.u32 s14, v2;
	s31 =	spop (v2sf)  }
0x47: {  	s12 =	sadd.s32 $0xFA0, s12;
	[tilespmem:v3+s9+$0x0] =	vst.idx.msk vm0, v63;
	s11 =	sadd.s32 s11, s31  }
0x48: {  	s10 =	sadd.s32 $0x1, s10  }
0x49: {  	p0 =	sne.s32 s10, s6  }
.Ltmp4:
0x4a: {  	_ = 	snop;
	(pc) =	sbr.rel @p0 .LBB2_2-.Ltmp4, $4  }
0x4b: {  	[hbm4b:s5+s3] =	stream.linear.scatter [tilespmem:s9], [sflag:$0x1], $0x186A0, $0x38;
	[tilespmem:$0x19700] =	vst v63  }
0x4c: {  	_ =	swait.ge [sflag:s8], $0x186A0  }
0x4d: {  	[sflag:s8] =	ssyncset.done $0x0  }
0x4e: {  	[sflag:s8] =	ssyncadd.s32 $0xFFFE7960  }
.LBB2_9:
0x4f: {  	_ =	sfence.sel $0x180000  }
0x50: {  	[bflag:$0x0] =	sbarrier.arrive $0xFFFF  }
0x51: {  	p0 =	sne.s32 s1, $0x0;
	_ =	strace $0x90000047  }
0x52: {  	s0 =	sadd.s32 @!p0 $0x100000, s0;
	[bflag:$0x2] =	sbarrier.arrive $0xFFFF  }
0x53: {  	[sflag:s0] =	ssyncadd.tile.s32 @!p0 $0x1;
	_ =	shalt  }
.Lfunc_end2:
_tile_overlayer_lowered:
.L_overlay_start_2:
0x54: {  	(tag) =	ssettag $0x2  }
0x55: {  	s0 =	rddreg [dreg:$0x0];
	s2 =	stileid.u32  }
0x56: {  	s1 =	rddreg [dreg:$0x1];
	p0 =	sne.s32 s2, $0x0  }
0x57: {  	s3 =	rddreg [dreg:$0x2];
	[bflag:$0x3] =	sbarrier.arrive $0xFFFF;
	s2 =	simm.s32 @!p0 $0x1C01  }
0x58: {  	[timem:s3], [sflag:s2] =	dma.local @!p0 [hbm:s0], s1  }
0x59: {  	s0 =	simm.s32 @!p0 $0x1  }
0x5a: {  	_ =	swait.ge @!p0 [sflag:s0], s1  }
0x5b: {  	s1 =	ssub.s32 @!p0 $0x0, s1;
	[sflag:s0] =	ssyncset.done @!p0 $0x0  }
0x5c: {  	[sflag:s0] =	ssyncadd.s32 @!p0 s1  }
0x5d: {  	[bflag:$0x3] =	sbarrier.arrive $0xFFFF  }
0x5e: {  	_ =	shalt  }

// kernel: sparse-core-data-format-call.cloned.1.call-start
scs
called_computation_lowered:
.L_overlay_start_0:
0x0: {  	s2 =	sld [smem:$0x3FD9]  }
0x1: {  	s3 =	sld [smem:$0x3FFE];
	_ =	sdelay $0x1  }
0x2: {  	s1 =	srdreg.scid  }
0x3: {  	s0 =	sand.u32 $0x1, s1  }
0x4: {  	s18 =	sshll.u32 s0, $0xA;
	s2 =	sadd.s32 s3, s2  }
0x5: {  	s2 =	sadd.s32 s2, s18  }
0x6: {  	[smem:$0x3FC6] =	sst s2  }
0x7: {  	_ = 	snop  }
0x8: {  	s2 =	sld [smem:$0x3FD0];
	(tm) =	ssettm $0x1  }
0x9: {  	s19 =	sld [smem:$0x3FFB];
	_ =	sdelay $0x3  }
0xa: {  	_ =	strace s19  }
0xb: {  	s3 =	sld [smem:$0x3FFC];
	_ =	sdelay $0x3  }
0xc: {  	_ =	strace s3  }
0xd: {  	s3 =	sld [smem:$0x3FFD];
	_ =	sdelay $0x3  }
0xe: {  	_ =	strace s3  }
0xf: {  	_ =	strace $0x8FFFFFFF  }
0x10: {  	s20 =	sld [smem:$0x3FDB];
	_ =	sdelay $0x1  }
0x11: {  	s4 =	simm.s32 $_scs_section_size  }
0x12: {  	s5 =	simm.s32 $_size__tile_overlayer_lowered;
	s6 =	simm.s32 $_tile_overlayer_lowered  }
0x13: {  	s23 =	simm.s32 $0x1BFF;
	s22 =	sshll.u32 s6, $0x1;
	s3 =	sadd.s32 s4, s20  }
0x14: {  	s7 =	simm.s32 $0x0;
	s21 =	sshll.u32 s5, $0x1;
	s5 =	sadd.s32 s22, s3  }
0x15: {  	[timem:s7], [sflag:s23] =	dma.local [hbm:s5], s21  }
0x16: {  	_ =	swait.ge [sflag:s23], s21  }
0x17: {  	s4 =	ssub.s32 $0x0, s21;
	[sflag:s23] =	ssyncset.done $0x0  }
0x18: {  	[sflag:s23] =	ssyncadd.s32 s4;
	_ =	sdelay $0x1  }
0x19: {  	s24 =	simm.s32 $0x1B8B  }
0x1a: {  	_ =	swait.ge [sflag:s24], $0x1  }
0x1b: {  	[sflag:s24] =	ssyncset.done $0x0  }
0x1c: {  	s26 =	simm.s32 $0x1B8E;
	s25 =	sld [smem:$0x3FFE];
	[sflag:s24] =	ssyncadd.s32 $0xFFFFFFFF  }
0x1d: {  	s27 =	simm.s32 $execute0_lowered;
	[smem:$0x3FD2] =	sst s26  }
0x1e: {  	s5 =	sshll.u32 s27, $0x1;
	_ =	strace $0x8000004C;
	[dreg:$0x1] =	wrdreg $0xFFFFFFFF  }
0x1f: {  	s28 =	simm.s32 $_size_execute0_lowered;
	s3 =	sadd.s32 s3, s5;
	[dreg:$0x0] =	wrdreg $0x0  }
0x20: {  	s5 =	sshll.u32 s28, $0x1;
	[dreg:$0x2] =	wrdreg s3  }
0x21: {  	[dreg:$0x3] =	wrdreg s5  }
0x22: {  	[dreg:$0x4] =	wrdreg $0xC0  }
0x23: {  	_ =	task [dreg:s7], $0x5FFFF  }
0x24: {  	[dreg:$0x1] =	wrdreg $0xFFFFFFFF  }
0x25: {  	[dreg:$0x0] =	wrdreg $0x60  }
0x26: {  	[dreg:$0x2] =	wrdreg s25  }
0x27: {  	[dreg:$0x3] =	wrdreg s2  }
0x28: {  	[dreg:$0x4] =	wrdreg $0x9  }
0x29: {  	_ =	task.clear_ibuf [dreg:s7], $0x5FFFF;
	_ =	strace $0x9000004C  }
0x2a: {  	s29 =	simm.s32 $0x9;
	_ =	strace $0x8000004E  }
0x2b: {  	_ =	swait.ge [sflag:s29], $0x1  }
0x2c: {  	[sflag:s29] =	ssyncadd.s32 $0xFFFFFFFF  }
0x2d: {  	_ =	strace $0x9000004E  }
0x2e: {  	_ =	sfence  }
0x2f: {  	s30 =	sld [smem:$0x0];
	_ =	sdelay $0x2  }
0x30: {  	s31 =	sshll.u32 s1, $0xD;
	s1 =	sshrl.u32 s1, $0x2  }
0x31: {  	s3 =	sand.u32 $0x4000, s31;
	s1 =	sadd.s32 s1, s30  }
0x32: {  	s0 =	sor.u32 s3, s0;
	s1 =	sshll.u32 s1, $0x11  }
0x33: {  	s0 =	sor.u32 s1, s0  }
0x34: {  	s0 =	sadd.s32 $0x8F2B, s0  }
0x35: {  	[sflag:s0] =	ssyncadd.remote.s32 $0x1  }
0x36: {  	_ =	sfence.sel $0xFFFF  }
0x37: {  	[dreg:$0x0] =	wrdreg $0xFFFFFFFF;
	(pc) =	sbr.abs _section_cstart, $3  }
0x38: {  	[dreg:$0x1] =	wrdreg $0xFFFFFFFF  }
0x39: {  	_ =	task.clear_ibuf [dreg:s7], $0x2FFFF;
	_ =	strace $0x9FFFFFFF  }
0x3a: {  	(tm) =	ssettm $0x7FFFFFFF  }
0x3b: {  	_ =	shalt  }
tec
execute0_lowered:
.L_overlay_start_1:
0x0: {  	(tag) =	ssettag $0x1  }
0x1: {  	s4 =	rddreg [dreg:$0x0]  }
0x2: {  	s0 =	srdreg.scid;
	s2 =	rddreg [dreg:$0x1]  }
0x3: {  	s1 =	stileid.u32;
	s5 =	simm.s32 $0x1;
	s0 =	sshll.u32 s0, $0x4  }
0x4: {  	s7 =	simm.s32 $0x2;
	s11 =	simm.s32 $0x0;
	s3 =	sand.u32 $0x10, s0  }
.Ltmp0:
0x5: {  	p0 =	por $0x0, $0x0;
	s3 =	sor.u32 s1, s3;
	(pc) =	sbr.rel .LBB1_1-.Ltmp0, $4  }
0x6: {  	s8 =	simm.s32 $0x13D6400;
	s10 =	simm.s32 $0x0;
	s3 =	sshll.u32 s3, $0x7  }
0x7: {  	s0 =	rddreg [dreg:$0x2];
	_ =	strace $0x8000004D;
	s6 =	ssub.s32 $0x27AC00, s3  }
0x8: {  	s4 =	sadd.s32 $0xA3B400, s4;
	[sflag:s5] =	ssyncpa.u1 $0x0;
	s6 =	sshrl.u32 s6, $0xC  }
0x9: {  	[sflag:s7] =	ssyncpa.u1 $0x0;
	s9 =	smov.u32 s3;
	s7 =	sadd.s32 $0x2, s6  }
.LBB1_5:
0xa: {  	s13 =	sadd.s32 $0x1000, s9  }
0xb: {  	p2 =	sgt.s32 s13, $0x27AC3F  }
0xc: {  	s13 =	smov.u32 @p2 s3;
	p2 =	sne.s32 s10, s7  }
.Ltmp1:
0xd: {  	p1 =	slt.u32 s10, $0x2;
	(pc) =	sbr.rel @!p2 .LBB1_6-.Ltmp1, $4  }
0xe: {  	s12 =	simm.s32 @!p1 $0x2  }
0xf: {  	s14 =	sadd.s32 $0x1, s10;
	_ =	swait.ge @!p1 [sflag:s12], $0x1000  }
0x10: {  	s11 =	smov.u32 s9;
	p0 =	por !p0, !p0;
	[sflag:s12] =	ssyncset.done @!p1 $0x0  }
0x11: {  	s10 =	smov.u32 s14;
	s9 =	smov.u32 s13;
	[sflag:s12] =	ssyncadd.s32 @!p1 $0xFFFFF000  }
.LBB1_1:
0x12: {  	p1 =	sgt.u32 s10, s6  }
0x13: {  	s13 =	smov.u32 s9;
	p2 =	sgt.s32 @!p1 s9, $0x27ABC0  }
0x14: {  	s12 =	sand.u32 @!p1 $0x1FFFFFF, s9;
	s14 =	sshra.s32 @!p1 s9, $0x1F;
	p2 =	por !p2, p1  }
0x15: {  	s15 =	smulhi.u32 @!p1 $0xCE7D23, s12;
	s14 =	sand.u32 @!p1 s14, s9;
	s13 =	simm.s32 @p2 $0x27ABC0  }
0x16: {  	s13 =	ssub.s32 @!p1 s13, s14  }
0x17: {  	s14 =	sshrl.u32 @!p1 s15, $0xD;
	s13 =	sadd.s32 @!p1 $0xFFD85440, s13  }
0x18: {  	s15 =	sxor.u32 @!p1 $0xFFFFFFFF, s10;
	s14 =	smul.u32 @!p1 $0x27AC40, s14;
	s16 =	sshll.u32 @!p1 s13, $0x7  }
0x19: {  	s15 =	sshll.u32 @!p1 s15, $0xC;
	p2 =	sgt.s32 @!p1 s13, $0x7F;
	s13 =	ssub.s32 @!p1 $0x4000, s16  }
0x1a: {  	s12 =	ssub.s32 @!p1 s12, s14;
	p2 =	por !p2, p1;
	s14 =	sand.u32 @!p1 $0x1000, s15  }
0x1b: {  	s15 =	simm.s32 @!p1 $0x20;
	s13 =	sshrl.u32 @!p1 s13, $0x2;
	s12 =	sshll.u32 @!p1 s12, $0x4  }
0x1c: {  	s16 =	simm.s32 @!p1 $0x80;
	s13 =	simm.s32 @!p2 $0x0;
	s12 =	sadd.s32 @!p1 s4, s12  }
0x1d: {  	[tilespmem:s14], [sflag:$0x1] =	stream.strided.gather @!p1 [hbm4b:s12+s15], s13, s16, s15, $0x38;
	[tilespmem:$0x4040] =	vst v63  }
0x1e: {  	p1 =	seq.s32 s10, $0x0  }
0x1f: {  	p2 =	sge.u32 @!p1 s10, s7  }
0x20: {  	p1 =	por p1, p2  }
.Ltmp2:
0x21: {  	_ = 	snop;
	(pc) =	sbr.rel @p1 .LBB1_5-.Ltmp2, $1  }
0x22: {  	_ =	sdelay $0x3  }
0x23: {  	p1 =	sgt.s32 s11, $0x27ABC0;
	s12 =	smov.u32 s11;
	s13 =	sshra.s32 s11, $0x1F  }
0x24: {  	s12 =	simm.s32 @!p1 $0x27ABC0;
	s13 =	sand.u32 s13, s11  }
0x25: {  	s12 =	ssub.s32 s12, s13  }
0x26: {  	s12 =	sadd.s32 $0xFFD85440, s12  }
0x27: {  	s28 =	sshll.u32 s12, $0x7  }
0x28: {  	s13 =	ssub.s32 $0x4000, s28  }
0x29: {  	p1 =	sgt.s32 s12, $0x7F;
	s12 =	sshrl.u32 s13, $0x2  }
0x2a: {  	s13 =	simm.s32 $0x1;
	s12 =	simm.s32 @p1 $0x0  }
0x2b: {  	s13 =	simm.s32 @!p0 $0x0;
	_ =	swait.ge [sflag:s5], s12  }
0x2c: {  	s14 =	sshll.u32 s13, $0xC;
	s12 =	ssub.s32 $0x0, s12;
	[sflag:s5] =	ssyncset.done $0x0  }
0x2d: {  	s16 =	sor.u32 $0x10, s14;
	[sflag:s5] =	ssyncadd.s32 s12  }
0x2e: {  	s29 =	smul.u32 $0x4080, s13;
	v1 =	vld [tilespmem:s16+$0x0]  }
0x2f: {  	s30 =	sand.u32 $0x1, s10;
	v0 =	vld [tilespmem:s16+$0xFFFFFFF0]  }
0x30: {  	s13 =	smul.u32 $0x4080, s30;
	s12 =	sshrl.u32 s29, $0x2  }
0x31: {  	s14 =	sor.u32 $0x2000, s12  }
0x32: {  	s31 =	sshrl.u32 s13, $0x2;
	s13 =	sadd.s32 $0x0, s14  }
0x33: {  	s15 =	simm.s32 $0x4;
	s12 =	sor.u32 $0x2000, s31;
	s16 =	sadd.s32 $0x20, s16;
	[tilespmem:s13+$0x810 ss:$0x81] =	vst.msk $0xffff, v1  }
.LBB1_3:
0x34: {  	v1 =	vld [tilespmem:s16+$0x0];
	p1 =	sne.s32 s15, $0x1FC;
	[tilespmem:s13+$0x0 ss:$0x81] =	vst.msk $0xffff, v0;
	s13 =	smov.u32 s15;
	s15 =	sadd.s32 $0x4, s15  }
.Ltmp3:
0x35: {  	v0 =	vld [tilespmem:s16+$0xFFFFFFF0];
	(pc) =	sbr.rel @p1 .LBB1_3-.Ltmp3, $4  }
0x36: {  	_ = 	snop  }
0x37: {  	s13 =	sshra.s32 s13, $0x2  }
0x38: {  	s13 =	sadd.s32 s13, s14  }
0x39: {  	s16 =	sadd.s32 $0x20, s16;
	[tilespmem:s13+$0x810 ss:$0x81] =	vst.msk $0xffff, v1  }
0x3a: {  	s14 =	sshll.u32 s11, $0x3  }
0x3b: {  	s30 =	sand.u32 $0x7F, s11;
	s14 =	sand.u32 $0xFFFFFC00, s14  }
0x3c: {  	s11 =	sor.u32 s30, s14  }
0x3d: {  	s15 =	smulhi.u32 $0xCE7BD5B5, s11;
	_ =	sdelay $0x1  }
0x3e: {  	s14 =	smulhi.u32 $0xCE7BD5B5, s14;
	s15 =	sshrl.u32 s15, $0x15  }
0x3f: {  	s15 =	smul.u32 $0x27AC80, s15  }
0x40: {  	s14 =	sshrl.u32 s14, $0x15  }
.Ltmp4:
0x41: {  	s14 =	sand.u32 $0x1F, s14;
	s11 =	ssub.s32 s11, s15;
	(pc) =	sbr.rel .LBB1_5-.Ltmp4, $4  }
0x42: {  	s14 =	smul.u32 $0x4F590, s14;
	s15 =	sshrl.u32 s11, $0x3;
	s11 =	sand.u32 $0x7, s11  }
0x43: {  	s15 =	sadd.s32 s2, s15;
	s11 =	sshll.u32 s11, $0x12  }
0x44: {  	[tilespmem:s13+$0x0 ss:$0x81] =	vst.msk $0xffff, v0;
	s31 =	sadd.s32 s14, s15;
	s11 =	sor.u32 $0x400, s11  }
0x45: {  	[hbm4b:s31+s11] =	stream.strided.scatter [tilespmem:s12], [sflag:$0x2], $0x1000, s8, s11, $0x20;
	[tilespmem:$0x4040] =	vst v63  }
.LBB1_6:
0x46: {  	_ =	sfence.sel $0x180000  }
0x47: {  	s2 =	simm.s32 $0x1;
	[bflag:$0x0] =	sbarrier.arrive $0xFFFF  }
0x48: {  	s31 =	simm.s32 $0x2;
	[sflag:s2] =	ssyncpa.u1 $0x1  }
0x49: {  	[sflag:s31] =	ssyncpa.u1 $0x1  }
0x4a: {  	p0 =	sne.s32 s1, $0x0;
	_ =	strace $0x9000004D  }
0x4b: {  	s0 =	sadd.s32 @!p0 $0x100000, s0;
	[bflag:$0x2] =	sbarrier.arrive $0xFFFF  }
0x4c: {  	[sflag:s0] =	ssyncadd.tile.s32 @!p0 $0x1;
	_ =	shalt  }
.Lfunc_end1:
_tile_overlayer_lowered:
.L_overlay_start_2:
0x4d: {  	(tag) =	ssettag $0x2  }
0x4e: {  	s0 =	rddreg [dreg:$0x0];
	s2 =	stileid.u32  }
0x4f: {  	s1 =	rddreg [dreg:$0x1];
	p0 =	sne.s32 s2, $0x0  }
0x50: {  	s3 =	rddreg [dreg:$0x2];
	[bflag:$0x3] =	sbarrier.arrive $0xFFFF;
	s2 =	simm.s32 @!p0 $0x1C01  }
0x51: {  	[timem:s3], [sflag:s2] =	dma.local @!p0 [hbm:s0], s1  }
0x52: {  	s0 =	simm.s32 @!p0 $0x1  }
0x53: {  	_ =	swait.ge @!p0 [sflag:s0], s1  }
0x54: {  	s1 =	ssub.s32 @!p0 $0x0, s1;
	[sflag:s0] =	ssyncset.done @!p0 $0x0  }
0x55: {  	[sflag:s0] =	ssyncadd.s32 @!p0 s1  }
0x56: {  	[bflag:$0x3] =	sbarrier.arrive $0xFFFF  }
0x57: {  	_ =	shalt  }

</sc_bundles>
